<compile_context>
chip_gen: v7x
topology: tpu7x:2x2x1
jax: 0.10.2.dev20260603
libtpu: 0.0.44.dev20260713+nightly
codegen_flags: <defaults>
</compile_context>

<pallas_src>
import functools

import jax
import jax.numpy as jnp
from jax import lax
from jax.experimental import pallas as pl
from jax.experimental.pallas import tpu as pltpu
from jax.experimental.pallas import tpu_sc as plsc

_B, _L, _VOCAB, _DIM = 4096, 200, 128, 128
_N = _B * _L
_NC, _NS = 2, 16
_NW = _NC * _NS
_PER_W = _N // _NW
_ROWS = 64
_NBUF = 8
_NITER = _PER_W // _ROWS


def _make_lookup():
    mesh = plsc.VectorSubcoreMesh(core_axis_name="c", subcore_axis_name="s")

    @functools.partial(
        pl.kernel,
        mesh=mesh,
        out_type=jax.ShapeDtypeStruct((_N, _DIM), jnp.float32),
        compiler_params=pltpu.CompilerParams(needs_layout_passes=False),
        scratch_types=[
            pltpu.VMEM((_PER_W,), jnp.int32),
            pltpu.VMEM_SHARED((_VOCAB, _DIM), jnp.float32),
            pltpu.VMEM((_NBUF, _ROWS, _DIM), jnp.float32),
        ]
        + [pltpu.SemaphoreType.DMA] * (2 * _NBUF),
    )
    def lookup(idx_hbm, table_hbm, out_hbm, idx_v, table_sh, rows, *sems):
        gsems, wsems = sems[:_NBUF], sems[_NBUF:]
        wid = lax.axis_index("s") * _NC + lax.axis_index("c")
        base = wid * _PER_W
        pltpu.sync_copy(idx_hbm.at[wid], idx_v)

        @pl.when(lax.axis_index("s") == 0)
        def _():
            pltpu.sync_copy(table_hbm, table_sh)

        plsc.subcore_barrier()

        def gather_copy(g, b):
            return pltpu.make_async_copy(
                table_sh.at[idx_v.at[pl.ds(g * _ROWS, _ROWS)]],
                rows.at[b],
                gsems[b],
            )

        def write_copy(g, b):
            return pltpu.make_async_copy(
                rows.at[b], out_hbm.at[pl.ds(base + g * _ROWS, _ROWS)], wsems[b]
            )

        for p in range(5):
            gather_copy(p, p).start()

        def body(gp, carry):
            for b in range(_NBUF):
                g = gp * _NBUF + b
                c5 = (b + 5) % _NBUF

                @pl.when(g >= 3)
                def _():
                    write_copy(g - 3, c5).wait()

                @pl.when(g + 5 < _NITER)
                def _():
                    gather_copy(g + 5, c5).start()

                gather_copy(g, b).wait()
                write_copy(g, b).start()

            return carry

        lax.fori_loop(0, _NITER // _NBUF, body, 0)
        for p in range(3):
            g = _NITER - 3 + p
            write_copy(g, g % _NBUF).wait()

    return lookup


_lookup = _make_lookup()


def kernel(vocab_id_list, embedding_weight):
    idx = vocab_id_list.astype(jnp.int32).reshape(_NW, _PER_W)
    out = _lookup(idx, embedding_weight)
    return out.reshape(_B, _L, _DIM)

# --- scband reference (transcript-rebuilt; emitter-appended) ---
"""Pipeline reference for scband-embedding-layer-51505247814418 (READ-ONLY COPY).

The authoritative reference and input builder live on the scoring server;
editing this copy changes nothing except your own understanding.
"""

import jax, jax.numpy as jnp
import numpy as np

VOCAB = 128
DIM = 128
B = 4096
L = 200


def setup_inputs(seed: int = 0) -> dict:
    key = jax.random.key(seed)
    k1, k2 = jax.random.split(key)
    vocab_id_list = jax.random.randint(k1, (B, L), 0, VOCAB, dtype=jnp.int64 if jax.config.jax_enable_x64 else jnp.int32)
    # The torch module builds per-label embeddings by averaging word-level
    # kaiming-uniform rows, then copies them into nn.Embedding.weight.
    # For the runtime reference we materialize the resulting [VOCAB, DIM]
    # embedding table directly.
    embedding_weight = jax.random.normal(k2, (VOCAB, DIM), dtype=jnp.float32)
    return {"vocab_id_list": vocab_id_list, "embedding_weight": embedding_weight}


def reference(vocab_id_list, embedding_weight):
    # forward: embedding lookup followed by dropout (p=0.0 -> identity)
    embedding = jnp.take(embedding_weight, vocab_id_list, axis=0)
    return embedding

if __name__ == "__main__":
    import jax
    _d = setup_inputs()
    print(jax.jit(kernel)(*tuple(_d.values())))

</pallas_src>

<mosaic_0001>
#map = affine_map<(d0, d1) -> (0, 0)>
module attributes {stable_mosaic.version = 14 : i64} {
  func.func @lookup(%arg0: i32, %arg1: i32, %arg2: memref<32x25600xi32, #tpu.memory_space<hbm>>, %arg3: memref<128x128xf32, #tpu.memory_space<hbm>>, %arg4: memref<819200x128xf32, #tpu.memory_space<hbm>>, %arg5: memref<25600xi32, #tpu.memory_space<vmem>>, %arg6: memref<128x128xf32, #tpu.memory_space<vmem_shared>>, %arg7: memref<8x64x128xf32, #tpu.memory_space<vmem>>, %arg8: memref<!tpu.dma_semaphore, #tpu.memory_space<semaphore_mem>>, %arg9: memref<!tpu.dma_semaphore, #tpu.memory_space<semaphore_mem>>, %arg10: memref<!tpu.dma_semaphore, #tpu.memory_space<semaphore_mem>>, %arg11: memref<!tpu.dma_semaphore, #tpu.memory_space<semaphore_mem>>, %arg12: memref<!tpu.dma_semaphore, #tpu.memory_space<semaphore_mem>>, %arg13: memref<!tpu.dma_semaphore, #tpu.memory_space<semaphore_mem>>, %arg14: memref<!tpu.dma_semaphore, #tpu.memory_space<semaphore_mem>>, %arg15: memref<!tpu.dma_semaphore, #tpu.memory_space<semaphore_mem>>, %arg16: memref<!tpu.dma_semaphore, #tpu.memory_space<semaphore_mem>>, %arg17: memref<!tpu.dma_semaphore, #tpu.memory_space<semaphore_mem>>, %arg18: memref<!tpu.dma_semaphore, #tpu.memory_space<semaphore_mem>>, %arg19: memref<!tpu.dma_semaphore, #tpu.memory_space<semaphore_mem>>, %arg20: memref<!tpu.dma_semaphore, #tpu.memory_space<semaphore_mem>>, %arg21: memref<!tpu.dma_semaphore, #tpu.memory_space<semaphore_mem>>, %arg22: memref<!tpu.dma_semaphore, #tpu.memory_space<semaphore_mem>>, %arg23: memref<!tpu.dma_semaphore, #tpu.memory_space<semaphore_mem>>) attributes {dimension_semantics = [#tpu.dimension_semantics<core_parallel>, #tpu.dimension_semantics<subcore_parallel>], iteration_bounds = array<i64: 2, 16>, scalar_prefetch = 0 : i64, scratch_operands = 19 : i64, tpu.core_type = #tpu.core_type<sc_vector_subcore>, window_params = [{transform_indices = #map}, {transform_indices = #map}, {transform_indices = #map}]} {
    %mul3A = arith.constant 2 : i32
    %mul3A_0 = arith.muli %arg1, %mul3A : i32
    %add3A = arith.addi %mul3A_0, %arg0 : i32
    %mul3A_1 = arith.constant 25600 : i32
    %mul3A_2 = arith.muli %add3A, %mul3A_1 : i32
    "tpu.region"() ({
      %run_scoped3A = tpu.sem_alloc : memref<!tpu.dma_semaphore, #tpu.memory_space<semaphore_mem>>
      %dma_start3A_103 = arith.constant 0 : i32
      %dma_start3A_104 = tpu.memref_slice %arg2[%add3A, %dma_start3A_103] : memref<32x25600xi32, #tpu.memory_space<hbm>> -> memref<1x25600xi32, #tpu.memory_space<hbm>>
      %dma_start3A_105 = tpu.memref_squeeze %dma_start3A_104 : memref<1x25600xi32, #tpu.memory_space<hbm>> -> memref<25600xi32, #tpu.memory_space<hbm>>
      %dma_start3A_106 = arith.constant 0 : i32
      %dma_start3A_107 = tpu.memref_slice %arg2[%add3A, %dma_start3A_106] : memref<32x25600xi32, #tpu.memory_space<hbm>> -> memref<1x25600xi32, #tpu.memory_space<hbm>>
      %dma_start3A_108 = tpu.memref_squeeze %dma_start3A_107 : memref<1x25600xi32, #tpu.memory_space<hbm>> -> memref<25600xi32, #tpu.memory_space<hbm>>
      tpu.enqueue_dma source(%dma_start3A_108 : memref<25600xi32, #tpu.memory_space<hbm>>) target(%arg5 : memref<25600xi32, #tpu.memory_space<vmem>>) target_semaphore(%run_scoped3A : memref<!tpu.dma_semaphore, #tpu.memory_space<semaphore_mem>>)
      %dma_wait3A_109 = arith.constant 0 : i32
      %dma_wait3A_110 = tpu.memref_slice %arg2[%add3A, %dma_wait3A_109] : memref<32x25600xi32, #tpu.memory_space<hbm>> -> memref<1x25600xi32, #tpu.memory_space<hbm>>
      %dma_wait3A_111 = tpu.memref_squeeze %dma_wait3A_110 : memref<1x25600xi32, #tpu.memory_space<hbm>> -> memref<25600xi32, #tpu.memory_space<hbm>>
      %dma_wait3A_112 = arith.constant 0 : i32
      %dma_wait3A_113 = tpu.memref_slice %arg2[%add3A, %dma_wait3A_112] : memref<32x25600xi32, #tpu.memory_space<hbm>> -> memref<1x25600xi32, #tpu.memory_space<hbm>>
      %dma_wait3A_114 = tpu.memref_squeeze %dma_wait3A_113 : memref<1x25600xi32, #tpu.memory_space<hbm>> -> memref<25600xi32, #tpu.memory_space<hbm>>
      tpu.wait_dma2 semaphore(%run_scoped3A : memref<!tpu.dma_semaphore, #tpu.memory_space<semaphore_mem>>) src(%dma_wait3A_114 : memref<25600xi32, #tpu.memory_space<hbm>>) dst(%arg5 : memref<25600xi32, #tpu.memory_space<vmem>>)
      tpu.yield
    }) : () -> ()
    %eq3A = arith.constant 0 : i32
    %eq3A_3 = arith.cmpi eq, %arg1, %eq3A : i32
    %convert_element_type3A = arith.extui %eq3A_3 : i1 to i32
    %cond3A = arith.constant 0 : i32
    %cond3A_4 = arith.cmpi ne, %convert_element_type3A, %cond3A : i32
    scf.if %cond3A_4 {
      "tpu.region"() ({
        %run_scoped3A = tpu.sem_alloc : memref<!tpu.dma_semaphore, #tpu.memory_space<semaphore_mem>>
        tpu.enqueue_dma source(%arg3 : memref<128x128xf32, #tpu.memory_space<hbm>>) target(%arg6 : memref<128x128xf32, #tpu.memory_space<vmem_shared>>) target_semaphore(%run_scoped3A : memref<!tpu.dma_semaphore, #tpu.memory_space<semaphore_mem>>)
        tpu.wait_dma2 semaphore(%run_scoped3A : memref<!tpu.dma_semaphore, #tpu.memory_space<semaphore_mem>>) src(%arg3 : memref<128x128xf32, #tpu.memory_space<hbm>>) dst(%arg6 : memref<128x128xf32, #tpu.memory_space<vmem_shared>>)
        tpu.yield
      }) : () -> ()
    } else {
    }
    %barrier3A = arith.constant 0 : index
    tpu.barrier barrier_id(%barrier3A)
    %dma_start3A = arith.constant 0 : i32
    %dma_start3A_5 = arith.constant 0 : i32
    %dma_start3A_6 = arith.constant 0 : i32
    %dma_start3A_7 = tpu.memref_slice %arg7[%dma_start3A, %dma_start3A_5, %dma_start3A_6] : memref<8x64x128xf32, #tpu.memory_space<vmem>> -> memref<1x64x128xf32, #tpu.memory_space<vmem>>
    %dma_start3A_8 = tpu.memref_squeeze %dma_start3A_7 : memref<1x64x128xf32, #tpu.memory_space<vmem>> -> memref<64x128xf32, #tpu.memory_space<vmem>>
    %dma_start3A_9 = arith.constant 0 : i32
    %dma_start3A_10 = tpu.memref_slice %arg5[%dma_start3A_9] : memref<25600xi32, #tpu.memory_space<vmem>> -> memref<64xi32, #tpu.memory_space<vmem>>
    %dma_start3A_11 = arith.constant 0 : i32
    %dma_start3A_12 = arith.constant 0 : i32
    %dma_start3A_13 = tpu.memref_slice %arg6[%dma_start3A_11, %dma_start3A_12] : memref<128x128xf32, #tpu.memory_space<vmem_shared>> -> memref<128x128xf32, #tpu.memory_space<vmem_shared>>
    tpu.enqueue_indirect_dma source(%dma_start3A_13 : memref<128x128xf32, #tpu.memory_space<vmem_shared>>) target(%dma_start3A_8 : memref<64x128xf32, #tpu.memory_space<vmem>>) offsets(%dma_start3A_10 : memref<64xi32, #tpu.memory_space<vmem>>) semaphore(%arg8 : memref<!tpu.dma_semaphore, #tpu.memory_space<semaphore_mem>>)
    %dma_start3A_14 = arith.constant 1 : i32
    %dma_start3A_15 = arith.constant 0 : i32
    %dma_start3A_16 = arith.constant 0 : i32
    %dma_start3A_17 = tpu.memref_slice %arg7[%dma_start3A_14, %dma_start3A_15, %dma_start3A_16] : memref<8x64x128xf32, #tpu.memory_space<vmem>> -> memref<1x64x128xf32, #tpu.memory_space<vmem>>
    %dma_start3A_18 = tpu.memref_squeeze %dma_start3A_17 : memref<1x64x128xf32, #tpu.memory_space<vmem>> -> memref<64x128xf32, #tpu.memory_space<vmem>>
    %dma_start3A_19 = arith.constant 64 : i32
    %dma_start3A_20 = tpu.memref_slice %arg5[%dma_start3A_19] : memref<25600xi32, #tpu.memory_space<vmem>> -> memref<64xi32, #tpu.memory_space<vmem>>
    %dma_start3A_21 = arith.constant 0 : i32
    %dma_start3A_22 = arith.constant 0 : i32
    %dma_start3A_23 = tpu.memref_slice %arg6[%dma_start3A_21, %dma_start3A_22] : memref<128x128xf32, #tpu.memory_space<vmem_shared>> -> memref<128x128xf32, #tpu.memory_space<vmem_shared>>
    tpu.enqueue_indirect_dma source(%dma_start3A_23 : memref<128x128xf32, #tpu.memory_space<vmem_shared>>) target(%dma_start3A_18 : memref<64x128xf32, #tpu.memory_space<vmem>>) offsets(%dma_start3A_20 : memref<64xi32, #tpu.memory_space<vmem>>) semaphore(%arg9 : memref<!tpu.dma_semaphore, #tpu.memory_space<semaphore_mem>>)
    %dma_start3A_24 = arith.constant 2 : i32
    %dma_start3A_25 = arith.constant 0 : i32
    %dma_start3A_26 = arith.constant 0 : i32
    %dma_start3A_27 = tpu.memref_slice %arg7[%dma_start3A_24, %dma_start3A_25, %dma_start3A_26] : memref<8x64x128xf32, #tpu.memory_space<vmem>> -> memref<1x64x128xf32, #tpu.memory_space<vmem>>
    %dma_start3A_28 = tpu.memref_squeeze %dma_start3A_27 : memref<1x64x128xf32, #tpu.memory_space<vmem>> -> memref<64x128xf32, #tpu.memory_space<vmem>>
    %dma_start3A_29 = arith.constant 128 : i32
    %dma_start3A_30 = tpu.memref_slice %arg5[%dma_start3A_29] : memref<25600xi32, #tpu.memory_space<vmem>> -> memref<64xi32, #tpu.memory_space<vmem>>
    %dma_start3A_31 = arith.constant 0 : i32
    %dma_start3A_32 = arith.constant 0 : i32
    %dma_start3A_33 = tpu.memref_slice %arg6[%dma_start3A_31, %dma_start3A_32] : memref<128x128xf32, #tpu.memory_space<vmem_shared>> -> memref<128x128xf32, #tpu.memory_space<vmem_shared>>
    tpu.enqueue_indirect_dma source(%dma_start3A_33 : memref<128x128xf32, #tpu.memory_space<vmem_shared>>) target(%dma_start3A_28 : memref<64x128xf32, #tpu.memory_space<vmem>>) offsets(%dma_start3A_30 : memref<64xi32, #tpu.memory_space<vmem>>) semaphore(%arg10 : memref<!tpu.dma_semaphore, #tpu.memory_space<semaphore_mem>>)
    %dma_start3A_34 = arith.constant 3 : i32
    %dma_start3A_35 = arith.constant 0 : i32
    %dma_start3A_36 = arith.constant 0 : i32
    %dma_start3A_37 = tpu.memref_slice %arg7[%dma_start3A_34, %dma_start3A_35, %dma_start3A_36] : memref<8x64x128xf32, #tpu.memory_space<vmem>> -> memref<1x64x128xf32, #tpu.memory_space<vmem>>
    %dma_start3A_38 = tpu.memref_squeeze %dma_start3A_37 : memref<1x64x128xf32, #tpu.memory_space<vmem>> -> memref<64x128xf32, #tpu.memory_space<vmem>>
    %dma_start3A_39 = arith.constant 192 : i32
    %dma_start3A_40 = tpu.memref_slice %arg5[%dma_start3A_39] : memref<25600xi32, #tpu.memory_space<vmem>> -> memref<64xi32, #tpu.memory_space<vmem>>
    %dma_start3A_41 = arith.constant 0 : i32
    %dma_start3A_42 = arith.constant 0 : i32
    %dma_start3A_43 = tpu.memref_slice %arg6[%dma_start3A_41, %dma_start3A_42] : memref<128x128xf32, #tpu.memory_space<vmem_shared>> -> memref<128x128xf32, #tpu.memory_space<vmem_shared>>
    tpu.enqueue_indirect_dma source(%dma_start3A_43 : memref<128x128xf32, #tpu.memory_space<vmem_shared>>) target(%dma_start3A_38 : memref<64x128xf32, #tpu.memory_space<vmem>>) offsets(%dma_start3A_40 : memref<64xi32, #tpu.memory_space<vmem>>) semaphore(%arg11 : memref<!tpu.dma_semaphore, #tpu.memory_space<semaphore_mem>>)
    %dma_start3A_44 = arith.constant 4 : i32
    %dma_start3A_45 = arith.constant 0 : i32
    %dma_start3A_46 = arith.constant 0 : i32
    %dma_start3A_47 = tpu.memref_slice %arg7[%dma_start3A_44, %dma_start3A_45, %dma_start3A_46] : memref<8x64x128xf32, #tpu.memory_space<vmem>> -> memref<1x64x128xf32, #tpu.memory_space<vmem>>
    %dma_start3A_48 = tpu.memref_squeeze %dma_start3A_47 : memref<1x64x128xf32, #tpu.memory_space<vmem>> -> memref<64x128xf32, #tpu.memory_space<vmem>>
    %dma_start3A_49 = arith.constant 256 : i32
    %dma_start3A_50 = tpu.memref_slice %arg5[%dma_start3A_49] : memref<25600xi32, #tpu.memory_space<vmem>> -> memref<64xi32, #tpu.memory_space<vmem>>
    %dma_start3A_51 = arith.constant 0 : i32
    %dma_start3A_52 = arith.constant 0 : i32
    %dma_start3A_53 = tpu.memref_slice %arg6[%dma_start3A_51, %dma_start3A_52] : memref<128x128xf32, #tpu.memory_space<vmem_shared>> -> memref<128x128xf32, #tpu.memory_space<vmem_shared>>
    tpu.enqueue_indirect_dma source(%dma_start3A_53 : memref<128x128xf32, #tpu.memory_space<vmem_shared>>) target(%dma_start3A_48 : memref<64x128xf32, #tpu.memory_space<vmem>>) offsets(%dma_start3A_50 : memref<64xi32, #tpu.memory_space<vmem>>) semaphore(%arg12 : memref<!tpu.dma_semaphore, #tpu.memory_space<semaphore_mem>>)
    %scan3A = arith.constant 0 : i32
    %scan3A_54 = arith.constant 0 : i32
    %scan3A_55 = arith.constant 50 : i32
    %scan3A_56 = arith.addi %scan3A_54, %scan3A_55 : i32
    %scan3A_57 = arith.constant 1 : i32
    scf.for %scan3A_103 = %scan3A_54 to %scan3A_56 step %scan3A_57  : i32 {
      %mul3A_104 = arith.constant 8 : i32
      %mul3A_105 = arith.muli %scan3A_103, %mul3A_104 : i32
      %add3A_106 = arith.constant 0 : i32
      %add3A_107 = arith.addi %mul3A_105, %add3A_106 : i32
      %ge3A = arith.constant 3 : i32
      %ge3A_108 = arith.cmpi sge, %add3A_107, %ge3A : i32
      %convert_element_type3A_109 = arith.extui %ge3A_108 : i1 to i32
      %cond3A_110 = arith.constant 0 : i32
      %cond3A_111 = arith.cmpi ne, %convert_element_type3A_109, %cond3A_110 : i32
      scf.if %cond3A_111 {
        %sub3A = arith.constant 3 : i32
        %sub3A_446 = arith.subi %add3A_107, %sub3A : i32
        %mul3A_447 = arith.constant 64 : i32
        %mul3A_448 = arith.muli %sub3A_446, %mul3A_447 : i32
        %add3A_449 = arith.addi %mul3A_2, %mul3A_448 : i32
        %dma_wait3A_450 = arith.constant 5 : i32
        %dma_wait3A_451 = arith.constant 0 : i32
        %dma_wait3A_452 = arith.constant 0 : i32
        %dma_wait3A_453 = tpu.memref_slice %arg7[%dma_wait3A_450, %dma_wait3A_451, %dma_wait3A_452] : memref<8x64x128xf32, #tpu.memory_space<vmem>> -> memref<1x64x128xf32, #tpu.memory_space<vmem>>
        %dma_wait3A_454 = tpu.memref_squeeze %dma_wait3A_453 : memref<1x64x128xf32, #tpu.memory_space<vmem>> -> memref<64x128xf32, #tpu.memory_space<vmem>>
        %dma_wait3A_455 = arith.constant 0 : i32
        %dma_wait3A_456 = tpu.memref_slice %arg4[%add3A_449, %dma_wait3A_455] : memref<819200x128xf32, #tpu.memory_space<hbm>> -> memref<64x128xf32, #tpu.memory_space<hbm>>
        %dma_wait3A_457 = arith.constant 0 : i32
        %dma_wait3A_458 = tpu.memref_slice %arg4[%add3A_449, %dma_wait3A_457] : memref<819200x128xf32, #tpu.memory_space<hbm>> -> memref<64x128xf32, #tpu.memory_space<hbm>>
        %dma_wait3A_459 = arith.constant 0 : i32
        %dma_wait3A_460 = arith.constant 0 : i32
        %dma_wait3A_461 = tpu.memref_slice %arg7[%dma_wait3A_450, %dma_wait3A_459, %dma_wait3A_460] : memref<8x64x128xf32, #tpu.memory_space<vmem>> -> memref<1x64x128xf32, #tpu.memory_space<vmem>>
        %dma_wait3A_462 = tpu.memref_squeeze %dma_wait3A_461 : memref<1x64x128xf32, #tpu.memory_space<vmem>> -> memref<64x128xf32, #tpu.memory_space<vmem>>
        tpu.wait_dma2 semaphore(%arg21 : memref<!tpu.dma_semaphore, #tpu.memory_space<semaphore_mem>>) src(%dma_wait3A_462 : memref<64x128xf32, #tpu.memory_space<vmem>>) dst(%dma_wait3A_458 : memref<64x128xf32, #tpu.memory_space<hbm>>)
      } else {
      }
      %add3A_112 = arith.constant 5 : i32
      %add3A_113 = arith.addi %add3A_107, %add3A_112 : i32
      %lt3A = arith.constant 400 : i32
      %lt3A_114 = arith.cmpi slt, %add3A_113, %lt3A : i32
      %convert_element_type3A_115 = arith.extui %lt3A_114 : i1 to i32
      %cond3A_116 = arith.constant 0 : i32
      %cond3A_117 = arith.cmpi ne, %convert_element_type3A_115, %cond3A_116 : i32
      scf.if %cond3A_117 {
        %add3A_446 = arith.constant 5 : i32
        %add3A_447 = arith.addi %add3A_107, %add3A_446 : i32
        %mul3A_448 = arith.constant 64 : i32
        %mul3A_449 = arith.muli %add3A_447, %mul3A_448 : i32
        %dma_start3A_450 = arith.constant 5 : i32
        %dma_start3A_451 = arith.constant 0 : i32
        %dma_start3A_452 = arith.constant 0 : i32
        %dma_start3A_453 = tpu.memref_slice %arg7[%dma_start3A_450, %dma_start3A_451, %dma_start3A_452] : memref<8x64x128xf32, #tpu.memory_space<vmem>> -> memref<1x64x128xf32, #tpu.memory_space<vmem>>
        %dma_start3A_454 = tpu.memref_squeeze %dma_start3A_453 : memref<1x64x128xf32, #tpu.memory_space<vmem>> -> memref<64x128xf32, #tpu.memory_space<vmem>>
        %dma_start3A_455 = tpu.memref_slice %arg5[%mul3A_449] : memref<25600xi32, #tpu.memory_space<vmem>> -> memref<64xi32, #tpu.memory_space<vmem>>
        %dma_start3A_456 = arith.constant 0 : i32
        %dma_start3A_457 = arith.constant 0 : i32
        %dma_start3A_458 = tpu.memref_slice %arg6[%dma_start3A_456, %dma_start3A_457] : memref<128x128xf32, #tpu.memory_space<vmem_shared>> -> memref<128x128xf32, #tpu.memory_space<vmem_shared>>
        tpu.enqueue_indirect_dma source(%dma_start3A_458 : memref<128x128xf32, #tpu.memory_space<vmem_shared>>) target(%dma_start3A_454 : memref<64x128xf32, #tpu.memory_space<vmem>>) offsets(%dma_start3A_455 : memref<64xi32, #tpu.memory_space<vmem>>) semaphore(%arg13 : memref<!tpu.dma_semaphore, #tpu.memory_space<semaphore_mem>>)
      } else {
      }
      %mul3A_118 = arith.constant 64 : i32
      %mul3A_119 = arith.muli %add3A_107, %mul3A_118 : i32
      %dma_wait3A_120 = arith.constant 0 : i32
      %dma_wait3A_121 = arith.constant 0 : i32
      %dma_wait3A_122 = arith.constant 0 : i32
      %dma_wait3A_123 = tpu.memref_slice %arg7[%dma_wait3A_120, %dma_wait3A_121, %dma_wait3A_122] : memref<8x64x128xf32, #tpu.memory_space<vmem>> -> memref<1x64x128xf32, #tpu.memory_space<vmem>>
      %dma_wait3A_124 = tpu.memref_squeeze %dma_wait3A_123 : memref<1x64x128xf32, #tpu.memory_space<vmem>> -> memref<64x128xf32, #tpu.memory_space<vmem>>
      %dma_wait3A_125 = tpu.memref_slice %arg5[%mul3A_119] : memref<25600xi32, #tpu.memory_space<vmem>> -> memref<64xi32, #tpu.memory_space<vmem>>
      %dma_wait3A_126 = arith.constant 0 : i32
      %dma_wait3A_127 = arith.constant 0 : i32
      %dma_wait3A_128 = tpu.memref_slice %arg6[%dma_wait3A_126, %dma_wait3A_127] : memref<128x128xf32, #tpu.memory_space<vmem_shared>> -> memref<128x128xf32, #tpu.memory_space<vmem_shared>>
      tpu.wait_indirect_dma semaphore(%arg8 : memref<!tpu.dma_semaphore, #tpu.memory_space<semaphore_mem>>) src(%dma_wait3A_128 : memref<128x128xf32, #tpu.memory_space<vmem_shared>>) dst(%dma_wait3A_124 : memref<64x128xf32, #tpu.memory_space<vmem>>)
      %mul3A_129 = arith.constant 64 : i32
      %mul3A_130 = arith.muli %add3A_107, %mul3A_129 : i32
      %add3A_131 = arith.addi %mul3A_2, %mul3A_130 : i32
      %dma_start3A_132 = arith.constant 0 : i32
      %dma_start3A_133 = arith.constant 0 : i32
      %dma_start3A_134 = arith.constant 0 : i32
      %dma_start3A_135 = tpu.memref_slice %arg7[%dma_start3A_132, %dma_start3A_133, %dma_start3A_134] : memref<8x64x128xf32, #tpu.memory_space<vmem>> -> memref<1x64x128xf32, #tpu.memory_space<vmem>>
      %dma_start3A_136 = tpu.memref_squeeze %dma_start3A_135 : memref<1x64x128xf32, #tpu.memory_space<vmem>> -> memref<64x128xf32, #tpu.memory_space<vmem>>
      %dma_start3A_137 = arith.constant 0 : i32
      %dma_start3A_138 = tpu.memref_slice %arg4[%add3A_131, %dma_start3A_137] : memref<819200x128xf32, #tpu.memory_space<hbm>> -> memref<64x128xf32, #tpu.memory_space<hbm>>
      %dma_start3A_139 = arith.constant 0 : i32
      %dma_start3A_140 = tpu.memref_slice %arg4[%add3A_131, %dma_start3A_139] : memref<819200x128xf32, #tpu.memory_space<hbm>> -> memref<64x128xf32, #tpu.memory_space<hbm>>
      %dma_start3A_141 = arith.constant 0 : i32
      %dma_start3A_142 = arith.constant 0 : i32
      %dma_start3A_143 = tpu.memref_slice %arg7[%dma_start3A_132, %dma_start3A_141, %dma_start3A_142] : memref<8x64x128xf32, #tpu.memory_space<vmem>> -> memref<1x64x128xf32, #tpu.memory_space<vmem>>
      %dma_start3A_144 = tpu.memref_squeeze %dma_start3A_143 : memref<1x64x128xf32, #tpu.memory_space<vmem>> -> memref<64x128xf32, #tpu.memory_space<vmem>>
      tpu.enqueue_dma source(%dma_start3A_144 : memref<64x128xf32, #tpu.memory_space<vmem>>) target(%dma_start3A_140 : memref<64x128xf32, #tpu.memory_space<hbm>>) target_semaphore(%arg16 : memref<!tpu.dma_semaphore, #tpu.memory_space<semaphore_mem>>)
      %mul3A_145 = arith.constant 8 : i32
      %mul3A_146 = arith.muli %scan3A_103, %mul3A_145 : i32
      %add3A_147 = arith.constant 1 : i32
      %add3A_148 = arith.addi %mul3A_146, %add3A_147 : i32
      %ge3A_149 = arith.constant 3 : i32
      %ge3A_150 = arith.cmpi sge, %add3A_148, %ge3A_149 : i32
      %convert_element_type3A_151 = arith.extui %ge3A_150 : i1 to i32
      %cond3A_152 = arith.constant 0 : i32
      %cond3A_153 = arith.cmpi ne, %convert_element_type3A_151, %cond3A_152 : i32
      scf.if %cond3A_153 {
        %sub3A = arith.constant 3 : i32
        %sub3A_446 = arith.subi %add3A_148, %sub3A : i32
        %mul3A_447 = arith.constant 64 : i32
        %mul3A_448 = arith.muli %sub3A_446, %mul3A_447 : i32
        %add3A_449 = arith.addi %mul3A_2, %mul3A_448 : i32
        %dma_wait3A_450 = arith.constant 6 : i32
        %dma_wait3A_451 = arith.constant 0 : i32
        %dma_wait3A_452 = arith.constant 0 : i32
        %dma_wait3A_453 = tpu.memref_slice %arg7[%dma_wait3A_450, %dma_wait3A_451, %dma_wait3A_452] : memref<8x64x128xf32, #tpu.memory_space<vmem>> -> memref<1x64x128xf32, #tpu.memory_space<vmem>>
        %dma_wait3A_454 = tpu.memref_squeeze %dma_wait3A_453 : memref<1x64x128xf32, #tpu.memory_space<vmem>> -> memref<64x128xf32, #tpu.memory_space<vmem>>
        %dma_wait3A_455 = arith.constant 0 : i32
        %dma_wait3A_456 = tpu.memref_slice %arg4[%add3A_449, %dma_wait3A_455] : memref<819200x128xf32, #tpu.memory_space<hbm>> -> memref<64x128xf32, #tpu.memory_space<hbm>>
        %dma_wait3A_457 = arith.constant 0 : i32
        %dma_wait3A_458 = tpu.memref_slice %arg4[%add3A_449, %dma_wait3A_457] : memref<819200x128xf32, #tpu.memory_space<hbm>> -> memref<64x128xf32, #tpu.memory_space<hbm>>
        %dma_wait3A_459 = arith.constant 0 : i32
        %dma_wait3A_460 = arith.constant 0 : i32
        %dma_wait3A_461 = tpu.memref_slice %arg7[%dma_wait3A_450, %dma_wait3A_459, %dma_wait3A_460] : memref<8x64x128xf32, #tpu.memory_space<vmem>> -> memref<1x64x128xf32, #tpu.memory_space<vmem>>
        %dma_wait3A_462 = tpu.memref_squeeze %dma_wait3A_461 : memref<1x64x128xf32, #tpu.memory_space<vmem>> -> memref<64x128xf32, #tpu.memory_space<vmem>>
        tpu.wait_dma2 semaphore(%arg22 : memref<!tpu.dma_semaphore, #tpu.memory_space<semaphore_mem>>) src(%dma_wait3A_462 : memref<64x128xf32, #tpu.memory_space<vmem>>) dst(%dma_wait3A_458 : memref<64x128xf32, #tpu.memory_space<hbm>>)
      } else {
      }
      %add3A_154 = arith.constant 5 : i32
      %add3A_155 = arith.addi %add3A_148, %add3A_154 : i32
      %lt3A_156 = arith.constant 400 : i32
      %lt3A_157 = arith.cmpi slt, %add3A_155, %lt3A_156 : i32
      %convert_element_type3A_158 = arith.extui %lt3A_157 : i1 to i32
      %cond3A_159 = arith.constant 0 : i32
      %cond3A_160 = arith.cmpi ne, %convert_element_type3A_158, %cond3A_159 : i32
      scf.if %cond3A_160 {
        %add3A_446 = arith.constant 5 : i32
        %add3A_447 = arith.addi %add3A_148, %add3A_446 : i32
        %mul3A_448 = arith.constant 64 : i32
        %mul3A_449 = arith.muli %add3A_447, %mul3A_448 : i32
        %dma_start3A_450 = arith.constant 6 : i32
        %dma_start3A_451 = arith.constant 0 : i32
        %dma_start3A_452 = arith.constant 0 : i32
        %dma_start3A_453 = tpu.memref_slice %arg7[%dma_start3A_450, %dma_start3A_451, %dma_start3A_452] : memref<8x64x128xf32, #tpu.memory_space<vmem>> -> memref<1x64x128xf32, #tpu.memory_space<vmem>>
        %dma_start3A_454 = tpu.memref_squeeze %dma_start3A_453 : memref<1x64x128xf32, #tpu.memory_space<vmem>> -> memref<64x128xf32, #tpu.memory_space<vmem>>
        %dma_start3A_455 = tpu.memref_slice %arg5[%mul3A_449] : memref<25600xi32, #tpu.memory_space<vmem>> -> memref<64xi32, #tpu.memory_space<vmem>>
        %dma_start3A_456 = arith.constant 0 : i32
        %dma_start3A_457 = arith.constant 0 : i32
        %dma_start3A_458 = tpu.memref_slice %arg6[%dma_start3A_456, %dma_start3A_457] : memref<128x128xf32, #tpu.memory_space<vmem_shared>> -> memref<128x128xf32, #tpu.memory_space<vmem_shared>>
        tpu.enqueue_indirect_dma source(%dma_start3A_458 : memref<128x128xf32, #tpu.memory_space<vmem_shared>>) target(%dma_start3A_454 : memref<64x128xf32, #tpu.memory_space<vmem>>) offsets(%dma_start3A_455 : memref<64xi32, #tpu.memory_space<vmem>>) semaphore(%arg14 : memref<!tpu.dma_semaphore, #tpu.memory_space<semaphore_mem>>)
      } else {
      }
      %mul3A_161 = arith.constant 64 : i32
      %mul3A_162 = arith.muli %add3A_148, %mul3A_161 : i32
      %dma_wait3A_163 = arith.constant 1 : i32
      %dma_wait3A_164 = arith.constant 0 : i32
      %dma_wait3A_165 = arith.constant 0 : i32
      %dma_wait3A_166 = tpu.memref_slice %arg7[%dma_wait3A_163, %dma_wait3A_164, %dma_wait3A_165] : memref<8x64x128xf32, #tpu.memory_space<vmem>> -> memref<1x64x128xf32, #tpu.memory_space<vmem>>
      %dma_wait3A_167 = tpu.memref_squeeze %dma_wait3A_166 : memref<1x64x128xf32, #tpu.memory_space<vmem>> -> memref<64x128xf32, #tpu.memory_space<vmem>>
      %dma_wait3A_168 = tpu.memref_slice %arg5[%mul3A_162] : memref<25600xi32, #tpu.memory_space<vmem>> -> memref<64xi32, #tpu.memory_space<vmem>>
      %dma_wait3A_169 = arith.constant 0 : i32
      %dma_wait3A_170 = arith.constant 0 : i32
      %dma_wait3A_171 = tpu.memref_slice %arg6[%dma_wait3A_169, %dma_wait3A_170] : memref<128x128xf32, #tpu.memory_space<vmem_shared>> -> memref<128x128xf32, #tpu.memory_space<vmem_shared>>
      tpu.wait_indirect_dma semaphore(%arg9 : memref<!tpu.dma_semaphore, #tpu.memory_space<semaphore_mem>>) src(%dma_wait3A_171 : memref<128x128xf32, #tpu.memory_space<vmem_shared>>) dst(%dma_wait3A_167 : memref<64x128xf32, #tpu.memory_space<vmem>>)
      %mul3A_172 = arith.constant 64 : i32
      %mul3A_173 = arith.muli %add3A_148, %mul3A_172 : i32
      %add3A_174 = arith.addi %mul3A_2, %mul3A_173 : i32
      %dma_start3A_175 = arith.constant 1 : i32
      %dma_start3A_176 = arith.constant 0 : i32
      %dma_start3A_177 = arith.constant 0 : i32
      %dma_start3A_178 = tpu.memref_slice %arg7[%dma_start3A_175, %dma_start3A_176, %dma_start3A_177] : memref<8x64x128xf32, #tpu.memory_space<vmem>> -> memref<1x64x128xf32, #tpu.memory_space<vmem>>
      %dma_start3A_179 = tpu.memref_squeeze %dma_start3A_178 : memref<1x64x128xf32, #tpu.memory_space<vmem>> -> memref<64x128xf32, #tpu.memory_space<vmem>>
      %dma_start3A_180 = arith.constant 0 : i32
      %dma_start3A_181 = tpu.memref_slice %arg4[%add3A_174, %dma_start3A_180] : memref<819200x128xf32, #tpu.memory_space<hbm>> -> memref<64x128xf32, #tpu.memory_space<hbm>>
      %dma_start3A_182 = arith.constant 0 : i32
      %dma_start3A_183 = tpu.memref_slice %arg4[%add3A_174, %dma_start3A_182] : memref<819200x128xf32, #tpu.memory_space<hbm>> -> memref<64x128xf32, #tpu.memory_space<hbm>>
      %dma_start3A_184 = arith.constant 0 : i32
      %dma_start3A_185 = arith.constant 0 : i32
      %dma_start3A_186 = tpu.memref_slice %arg7[%dma_start3A_175, %dma_start3A_184, %dma_start3A_185] : memref<8x64x128xf32, #tpu.memory_space<vmem>> -> memref<1x64x128xf32, #tpu.memory_space<vmem>>
      %dma_start3A_187 = tpu.memref_squeeze %dma_start3A_186 : memref<1x64x128xf32, #tpu.memory_space<vmem>> -> memref<64x128xf32, #tpu.memory_space<vmem>>
      tpu.enqueue_dma source(%dma_start3A_187 : memref<64x128xf32, #tpu.memory_space<vmem>>) target(%dma_start3A_183 : memref<64x128xf32, #tpu.memory_space<hbm>>) target_semaphore(%arg17 : memref<!tpu.dma_semaphore, #tpu.memory_space<semaphore_mem>>)
      %mul3A_188 = arith.constant 8 : i32
      %mul3A_189 = arith.muli %scan3A_103, %mul3A_188 : i32
      %add3A_190 = arith.constant 2 : i32
      %add3A_191 = arith.addi %mul3A_189, %add3A_190 : i32
      %ge3A_192 = arith.constant 3 : i32
      %ge3A_193 = arith.cmpi sge, %add3A_191, %ge3A_192 : i32
      %convert_element_type3A_194 = arith.extui %ge3A_193 : i1 to i32
      %cond3A_195 = arith.constant 0 : i32
      %cond3A_196 = arith.cmpi ne, %convert_element_type3A_194, %cond3A_195 : i32
      scf.if %cond3A_196 {
        %sub3A = arith.constant 3 : i32
        %sub3A_446 = arith.subi %add3A_191, %sub3A : i32
        %mul3A_447 = arith.constant 64 : i32
        %mul3A_448 = arith.muli %sub3A_446, %mul3A_447 : i32
        %add3A_449 = arith.addi %mul3A_2, %mul3A_448 : i32
        %dma_wait3A_450 = arith.constant 7 : i32
        %dma_wait3A_451 = arith.constant 0 : i32
        %dma_wait3A_452 = arith.constant 0 : i32
        %dma_wait3A_453 = tpu.memref_slice %arg7[%dma_wait3A_450, %dma_wait3A_451, %dma_wait3A_452] : memref<8x64x128xf32, #tpu.memory_space<vmem>> -> memref<1x64x128xf32, #tpu.memory_space<vmem>>
        %dma_wait3A_454 = tpu.memref_squeeze %dma_wait3A_453 : memref<1x64x128xf32, #tpu.memory_space<vmem>> -> memref<64x128xf32, #tpu.memory_space<vmem>>
        %dma_wait3A_455 = arith.constant 0 : i32
        %dma_wait3A_456 = tpu.memref_slice %arg4[%add3A_449, %dma_wait3A_455] : memref<819200x128xf32, #tpu.memory_space<hbm>> -> memref<64x128xf32, #tpu.memory_space<hbm>>
        %dma_wait3A_457 = arith.constant 0 : i32
        %dma_wait3A_458 = tpu.memref_slice %arg4[%add3A_449, %dma_wait3A_457] : memref<819200x128xf32, #tpu.memory_space<hbm>> -> memref<64x128xf32, #tpu.memory_space<hbm>>
        %dma_wait3A_459 = arith.constant 0 : i32
        %dma_wait3A_460 = arith.constant 0 : i32
        %dma_wait3A_461 = tpu.memref_slice %arg7[%dma_wait3A_450, %dma_wait3A_459, %dma_wait3A_460] : memref<8x64x128xf32, #tpu.memory_space<vmem>> -> memref<1x64x128xf32, #tpu.memory_space<vmem>>
        %dma_wait3A_462 = tpu.memref_squeeze %dma_wait3A_461 : memref<1x64x128xf32, #tpu.memory_space<vmem>> -> memref<64x128xf32, #tpu.memory_space<vmem>>
        tpu.wait_dma2 semaphore(%arg23 : memref<!tpu.dma_semaphore, #tpu.memory_space<semaphore_mem>>) src(%dma_wait3A_462 : memref<64x128xf32, #tpu.memory_space<vmem>>) dst(%dma_wait3A_458 : memref<64x128xf32, #tpu.memory_space<hbm>>)
      } else {
      }
      %add3A_197 = arith.constant 5 : i32
      %add3A_198 = arith.addi %add3A_191, %add3A_197 : i32
      %lt3A_199 = arith.constant 400 : i32
      %lt3A_200 = arith.cmpi slt, %add3A_198, %lt3A_199 : i32
      %convert_element_type3A_201 = arith.extui %lt3A_200 : i1 to i32
      %cond3A_202 = arith.constant 0 : i32
      %cond3A_203 = arith.cmpi ne, %convert_element_type3A_201, %cond3A_202 : i32
      scf.if %cond3A_203 {
        %add3A_446 = arith.constant 5 : i32
        %add3A_447 = arith.addi %add3A_191, %add3A_446 : i32
        %mul3A_448 = arith.constant 64 : i32
        %mul3A_449 = arith.muli %add3A_447, %mul3A_448 : i32
        %dma_start3A_450 = arith.constant 7 : i32
        %dma_start3A_451 = arith.constant 0 : i32
        %dma_start3A_452 = arith.constant 0 : i32
        %dma_start3A_453 = tpu.memref_slice %arg7[%dma_start3A_450, %dma_start3A_451, %dma_start3A_452] : memref<8x64x128xf32, #tpu.memory_space<vmem>> -> memref<1x64x128xf32, #tpu.memory_space<vmem>>
        %dma_start3A_454 = tpu.memref_squeeze %dma_start3A_453 : memref<1x64x128xf32, #tpu.memory_space<vmem>> -> memref<64x128xf32, #tpu.memory_space<vmem>>
        %dma_start3A_455 = tpu.memref_slice %arg5[%mul3A_449] : memref<25600xi32, #tpu.memory_space<vmem>> -> memref<64xi32, #tpu.memory_space<vmem>>
        %dma_start3A_456 = arith.constant 0 : i32
        %dma_start3A_457 = arith.constant 0 : i32
        %dma_start3A_458 = tpu.memref_slice %arg6[%dma_start3A_456, %dma_start3A_457] : memref<128x128xf32, #tpu.memory_space<vmem_shared>> -> memref<128x128xf32, #tpu.memory_space<vmem_shared>>
        tpu.enqueue_indirect_dma source(%dma_start3A_458 : memref<128x128xf32, #tpu.memory_space<vmem_shared>>) target(%dma_start3A_454 : memref<64x128xf32, #tpu.memory_space<vmem>>) offsets(%dma_start3A_455 : memref<64xi32, #tpu.memory_space<vmem>>) semaphore(%arg15 : memref<!tpu.dma_semaphore, #tpu.memory_space<semaphore_mem>>)
      } else {
      }
      %mul3A_204 = arith.constant 64 : i32
      %mul3A_205 = arith.muli %add3A_191, %mul3A_204 : i32
      %dma_wait3A_206 = arith.constant 2 : i32
      %dma_wait3A_207 = arith.constant 0 : i32
      %dma_wait3A_208 = arith.constant 0 : i32
      %dma_wait3A_209 = tpu.memref_slice %arg7[%dma_wait3A_206, %dma_wait3A_207, %dma_wait3A_208] : memref<8x64x128xf32, #tpu.memory_space<vmem>> -> memref<1x64x128xf32, #tpu.memory_space<vmem>>
      %dma_wait3A_210 = tpu.memref_squeeze %dma_wait3A_209 : memref<1x64x128xf32, #tpu.memory_space<vmem>> -> memref<64x128xf32, #tpu.memory_space<vmem>>
      %dma_wait3A_211 = tpu.memref_slice %arg5[%mul3A_205] : memref<25600xi32, #tpu.memory_space<vmem>> -> memref<64xi32, #tpu.memory_space<vmem>>
      %dma_wait3A_212 = arith.constant 0 : i32
      %dma_wait3A_213 = arith.constant 0 : i32
      %dma_wait3A_214 = tpu.memref_slice %arg6[%dma_wait3A_212, %dma_wait3A_213] : memref<128x128xf32, #tpu.memory_space<vmem_shared>> -> memref<128x128xf32, #tpu.memory_space<vmem_shared>>
      tpu.wait_indirect_dma semaphore(%arg10 : memref<!tpu.dma_semaphore, #tpu.memory_space<semaphore_mem>>) src(%dma_wait3A_214 : memref<128x128xf32, #tpu.memory_space<vmem_shared>>) dst(%dma_wait3A_210 : memref<64x128xf32, #tpu.memory_space<vmem>>)
      %mul3A_215 = arith.constant 64 : i32
      %mul3A_216 = arith.muli %add3A_191, %mul3A_215 : i32
      %add3A_217 = arith.addi %mul3A_2, %mul3A_216 : i32
      %dma_start3A_218 = arith.constant 2 : i32
      %dma_start3A_219 = arith.constant 0 : i32
      %dma_start3A_220 = arith.constant 0 : i32
      %dma_start3A_221 = tpu.memref_slice %arg7[%dma_start3A_218, %dma_start3A_219, %dma_start3A_220] : memref<8x64x128xf32, #tpu.memory_space<vmem>> -> memref<1x64x128xf32, #tpu.memory_space<vmem>>
      %dma_start3A_222 = tpu.memref_squeeze %dma_start3A_221 : memref<1x64x128xf32, #tpu.memory_space<vmem>> -> memref<64x128xf32, #tpu.memory_space<vmem>>
      %dma_start3A_223 = arith.constant 0 : i32
      %dma_start3A_224 = tpu.memref_slice %arg4[%add3A_217, %dma_start3A_223] : memref<819200x128xf32, #tpu.memory_space<hbm>> -> memref<64x128xf32, #tpu.memory_space<hbm>>
      %dma_start3A_225 = arith.constant 0 : i32
      %dma_start3A_226 = tpu.memref_slice %arg4[%add3A_217, %dma_start3A_225] : memref<819200x128xf32, #tpu.memory_space<hbm>> -> memref<64x128xf32, #tpu.memory_space<hbm>>
      %dma_start3A_227 = arith.constant 0 : i32
      %dma_start3A_228 = arith.constant 0 : i32
      %dma_start3A_229 = tpu.memref_slice %arg7[%dma_start3A_218, %dma_start3A_227, %dma_start3A_228] : memref<8x64x128xf32, #tpu.memory_space<vmem>> -> memref<1x64x128xf32, #tpu.memory_space<vmem>>
      %dma_start3A_230 = tpu.memref_squeeze %dma_start3A_229 : memref<1x64x128xf32, #tpu.memory_space<vmem>> -> memref<64x128xf32, #tpu.memory_space<vmem>>
      tpu.enqueue_dma source(%dma_start3A_230 : memref<64x128xf32, #tpu.memory_space<vmem>>) target(%dma_start3A_226 : memref<64x128xf32, #tpu.memory_space<hbm>>) target_semaphore(%arg18 : memref<!tpu.dma_semaphore, #tpu.memory_space<semaphore_mem>>)
      %mul3A_231 = arith.constant 8 : i32
      %mul3A_232 = arith.muli %scan3A_103, %mul3A_231 : i32
      %add3A_233 = arith.constant 3 : i32
      %add3A_234 = arith.addi %mul3A_232, %add3A_233 : i32
      %ge3A_235 = arith.constant 3 : i32
      %ge3A_236 = arith.cmpi sge, %add3A_234, %ge3A_235 : i32
      %convert_element_type3A_237 = arith.extui %ge3A_236 : i1 to i32
      %cond3A_238 = arith.constant 0 : i32
      %cond3A_239 = arith.cmpi ne, %convert_element_type3A_237, %cond3A_238 : i32
      scf.if %cond3A_239 {
        %sub3A = arith.constant 3 : i32
        %sub3A_446 = arith.subi %add3A_234, %sub3A : i32
        %mul3A_447 = arith.constant 64 : i32
        %mul3A_448 = arith.muli %sub3A_446, %mul3A_447 : i32
        %add3A_449 = arith.addi %mul3A_2, %mul3A_448 : i32
        %dma_wait3A_450 = arith.constant 0 : i32
        %dma_wait3A_451 = arith.constant 0 : i32
        %dma_wait3A_452 = arith.constant 0 : i32
        %dma_wait3A_453 = tpu.memref_slice %arg7[%dma_wait3A_450, %dma_wait3A_451, %dma_wait3A_452] : memref<8x64x128xf32, #tpu.memory_space<vmem>> -> memref<1x64x128xf32, #tpu.memory_space<vmem>>
        %dma_wait3A_454 = tpu.memref_squeeze %dma_wait3A_453 : memref<1x64x128xf32, #tpu.memory_space<vmem>> -> memref<64x128xf32, #tpu.memory_space<vmem>>
        %dma_wait3A_455 = arith.constant 0 : i32
        %dma_wait3A_456 = tpu.memref_slice %arg4[%add3A_449, %dma_wait3A_455] : memref<819200x128xf32, #tpu.memory_space<hbm>> -> memref<64x128xf32, #tpu.memory_space<hbm>>
        %dma_wait3A_457 = arith.constant 0 : i32
        %dma_wait3A_458 = tpu.memref_slice %arg4[%add3A_449, %dma_wait3A_457] : memref<819200x128xf32, #tpu.memory_space<hbm>> -> memref<64x128xf32, #tpu.memory_space<hbm>>
        %dma_wait3A_459 = arith.constant 0 : i32
        %dma_wait3A_460 = arith.constant 0 : i32
        %dma_wait3A_461 = tpu.memref_slice %arg7[%dma_wait3A_450, %dma_wait3A_459, %dma_wait3A_460] : memref<8x64x128xf32, #tpu.memory_space<vmem>> -> memref<1x64x128xf32, #tpu.memory_space<vmem>>
        %dma_wait3A_462 = tpu.memref_squeeze %dma_wait3A_461 : memref<1x64x128xf32, #tpu.memory_space<vmem>> -> memref<64x128xf32, #tpu.memory_space<vmem>>
        tpu.wait_dma2 semaphore(%arg16 : memref<!tpu.dma_semaphore, #tpu.memory_space<semaphore_mem>>) src(%dma_wait3A_462 : memref<64x128xf32, #tpu.memory_space<vmem>>) dst(%dma_wait3A_458 : memref<64x128xf32, #tpu.memory_space<hbm>>)
      } else {
      }
      %add3A_240 = arith.constant 5 : i32
      %add3A_241 = arith.addi %add3A_234, %add3A_240 : i32
      %lt3A_242 = arith.constant 400 : i32
      %lt3A_243 = arith.cmpi slt, %add3A_241, %lt3A_242 : i32
      %convert_element_type3A_244 = arith.extui %lt3A_243 : i1 to i32
      %cond3A_245 = arith.constant 0 : i32
      %cond3A_246 = arith.cmpi ne, %convert_element_type3A_244, %cond3A_245 : i32
      scf.if %cond3A_246 {
        %add3A_446 = arith.constant 5 : i32
        %add3A_447 = arith.addi %add3A_234, %add3A_446 : i32
        %mul3A_448 = arith.constant 64 : i32
        %mul3A_449 = arith.muli %add3A_447, %mul3A_448 : i32
        %dma_start3A_450 = arith.constant 0 : i32
        %dma_start3A_451 = arith.constant 0 : i32
        %dma_start3A_452 = arith.constant 0 : i32
        %dma_start3A_453 = tpu.memref_slice %arg7[%dma_start3A_450, %dma_start3A_451, %dma_start3A_452] : memref<8x64x128xf32, #tpu.memory_space<vmem>> -> memref<1x64x128xf32, #tpu.memory_space<vmem>>
        %dma_start3A_454 = tpu.memref_squeeze %dma_start3A_453 : memref<1x64x128xf32, #tpu.memory_space<vmem>> -> memref<64x128xf32, #tpu.memory_space<vmem>>
        %dma_start3A_455 = tpu.memref_slice %arg5[%mul3A_449] : memref<25600xi32, #tpu.memory_space<vmem>> -> memref<64xi32, #tpu.memory_space<vmem>>
        %dma_start3A_456 = arith.constant 0 : i32
        %dma_start3A_457 = arith.constant 0 : i32
        %dma_start3A_458 = tpu.memref_slice %arg6[%dma_start3A_456, %dma_start3A_457] : memref<128x128xf32, #tpu.memory_space<vmem_shared>> -> memref<128x128xf32, #tpu.memory_space<vmem_shared>>
        tpu.enqueue_indirect_dma source(%dma_start3A_458 : memref<128x128xf32, #tpu.memory_space<vmem_shared>>) target(%dma_start3A_454 : memref<64x128xf32, #tpu.memory_space<vmem>>) offsets(%dma_start3A_455 : memref<64xi32, #tpu.memory_space<vmem>>) semaphore(%arg8 : memref<!tpu.dma_semaphore, #tpu.memory_space<semaphore_mem>>)
      } else {
      }
      %mul3A_247 = arith.constant 64 : i32
      %mul3A_248 = arith.muli %add3A_234, %mul3A_247 : i32
      %dma_wait3A_249 = arith.constant 3 : i32
      %dma_wait3A_250 = arith.constant 0 : i32
      %dma_wait3A_251 = arith.constant 0 : i32
      %dma_wait3A_252 = tpu.memref_slice %arg7[%dma_wait3A_249, %dma_wait3A_250, %dma_wait3A_251] : memref<8x64x128xf32, #tpu.memory_space<vmem>> -> memref<1x64x128xf32, #tpu.memory_space<vmem>>
      %dma_wait3A_253 = tpu.memref_squeeze %dma_wait3A_252 : memref<1x64x128xf32, #tpu.memory_space<vmem>> -> memref<64x128xf32, #tpu.memory_space<vmem>>
      %dma_wait3A_254 = tpu.memref_slice %arg5[%mul3A_248] : memref<25600xi32, #tpu.memory_space<vmem>> -> memref<64xi32, #tpu.memory_space<vmem>>
      %dma_wait3A_255 = arith.constant 0 : i32
      %dma_wait3A_256 = arith.constant 0 : i32
      %dma_wait3A_257 = tpu.memref_slice %arg6[%dma_wait3A_255, %dma_wait3A_256] : memref<128x128xf32, #tpu.memory_space<vmem_shared>> -> memref<128x128xf32, #tpu.memory_space<vmem_shared>>
      tpu.wait_indirect_dma semaphore(%arg11 : memref<!tpu.dma_semaphore, #tpu.memory_space<semaphore_mem>>) src(%dma_wait3A_257 : memref<128x128xf32, #tpu.memory_space<vmem_shared>>) dst(%dma_wait3A_253 : memref<64x128xf32, #tpu.memory_space<vmem>>)
      %mul3A_258 = arith.constant 64 : i32
      %mul3A_259 = arith.muli %add3A_234, %mul3A_258 : i32
      %add3A_260 = arith.addi %mul3A_2, %mul3A_259 : i32
      %dma_start3A_261 = arith.constant 3 : i32
      %dma_start3A_262 = arith.constant 0 : i32
      %dma_start3A_263 = arith.constant 0 : i32
      %dma_start3A_264 = tpu.memref_slice %arg7[%dma_start3A_261, %dma_start3A_262, %dma_start3A_263] : memref<8x64x128xf32, #tpu.memory_space<vmem>> -> memref<1x64x128xf32, #tpu.memory_space<vmem>>
      %dma_start3A_265 = tpu.memref_squeeze %dma_start3A_264 : memref<1x64x128xf32, #tpu.memory_space<vmem>> -> memref<64x128xf32, #tpu.memory_space<vmem>>
      %dma_start3A_266 = arith.constant 0 : i32
      %dma_start3A_267 = tpu.memref_slice %arg4[%add3A_260, %dma_start3A_266] : memref<819200x128xf32, #tpu.memory_space<hbm>> -> memref<64x128xf32, #tpu.memory_space<hbm>>
      %dma_start3A_268 = arith.constant 0 : i32
      %dma_start3A_269 = tpu.memref_slice %arg4[%add3A_260, %dma_start3A_268] : memref<819200x128xf32, #tpu.memory_space<hbm>> -> memref<64x128xf32, #tpu.memory_space<hbm>>
      %dma_start3A_270 = arith.constant 0 : i32
      %dma_start3A_271 = arith.constant 0 : i32
      %dma_start3A_272 = tpu.memref_slice %arg7[%dma_start3A_261, %dma_start3A_270, %dma_start3A_271] : memref<8x64x128xf32, #tpu.memory_space<vmem>> -> memref<1x64x128xf32, #tpu.memory_space<vmem>>
      %dma_start3A_273 = tpu.memref_squeeze %dma_start3A_272 : memref<1x64x128xf32, #tpu.memory_space<vmem>> -> memref<64x128xf32, #tpu.memory_space<vmem>>
      tpu.enqueue_dma source(%dma_start3A_273 : memref<64x128xf32, #tpu.memory_space<vmem>>) target(%dma_start3A_269 : memref<64x128xf32, #tpu.memory_space<hbm>>) target_semaphore(%arg19 : memref<!tpu.dma_semaphore, #tpu.memory_space<semaphore_mem>>)
      %mul3A_274 = arith.constant 8 : i32
      %mul3A_275 = arith.muli %scan3A_103, %mul3A_274 : i32
      %add3A_276 = arith.constant 4 : i32
      %add3A_277 = arith.addi %mul3A_275, %add3A_276 : i32
      %ge3A_278 = arith.constant 3 : i32
      %ge3A_279 = arith.cmpi sge, %add3A_277, %ge3A_278 : i32
      %convert_element_type3A_280 = arith.extui %ge3A_279 : i1 to i32
      %cond3A_281 = arith.constant 0 : i32
      %cond3A_282 = arith.cmpi ne, %convert_element_type3A_280, %cond3A_281 : i32
      scf.if %cond3A_282 {
        %sub3A = arith.constant 3 : i32
        %sub3A_446 = arith.subi %add3A_277, %sub3A : i32
        %mul3A_447 = arith.constant 64 : i32
        %mul3A_448 = arith.muli %sub3A_446, %mul3A_447 : i32
        %add3A_449 = arith.addi %mul3A_2, %mul3A_448 : i32
        %dma_wait3A_450 = arith.constant 1 : i32
        %dma_wait3A_451 = arith.constant 0 : i32
        %dma_wait3A_452 = arith.constant 0 : i32
        %dma_wait3A_453 = tpu.memref_slice %arg7[%dma_wait3A_450, %dma_wait3A_451, %dma_wait3A_452] : memref<8x64x128xf32, #tpu.memory_space<vmem>> -> memref<1x64x128xf32, #tpu.memory_space<vmem>>
        %dma_wait3A_454 = tpu.memref_squeeze %dma_wait3A_453 : memref<1x64x128xf32, #tpu.memory_space<vmem>> -> memref<64x128xf32, #tpu.memory_space<vmem>>
        %dma_wait3A_455 = arith.constant 0 : i32
        %dma_wait3A_456 = tpu.memref_slice %arg4[%add3A_449, %dma_wait3A_455] : memref<819200x128xf32, #tpu.memory_space<hbm>> -> memref<64x128xf32, #tpu.memory_space<hbm>>
        %dma_wait3A_457 = arith.constant 0 : i32
        %dma_wait3A_458 = tpu.memref_slice %arg4[%add3A_449, %dma_wait3A_457] : memref<819200x128xf32, #tpu.memory_space<hbm>> -> memref<64x128xf32, #tpu.memory_space<hbm>>
        %dma_wait3A_459 = arith.constant 0 : i32
        %dma_wait3A_460 = arith.constant 0 : i32
        %dma_wait3A_461 = tpu.memref_slice %arg7[%dma_wait3A_450, %dma_wait3A_459, %dma_wait3A_460] : memref<8x64x128xf32, #tpu.memory_space<vmem>> -> memref<1x64x128xf32, #tpu.memory_space<vmem>>
        %dma_wait3A_462 = tpu.memref_squeeze %dma_wait3A_461 : memref<1x64x128xf32, #tpu.memory_space<vmem>> -> memref<64x128xf32, #tpu.memory_space<vmem>>
        tpu.wait_dma2 semaphore(%arg17 : memref<!tpu.dma_semaphore, #tpu.memory_space<semaphore_mem>>) src(%dma_wait3A_462 : memref<64x128xf32, #tpu.memory_space<vmem>>) dst(%dma_wait3A_458 : memref<64x128xf32, #tpu.memory_space<hbm>>)
      } else {
      }
      %add3A_283 = arith.constant 5 : i32
      %add3A_284 = arith.addi %add3A_277, %add3A_283 : i32
      %lt3A_285 = arith.constant 400 : i32
      %lt3A_286 = arith.cmpi slt, %add3A_284, %lt3A_285 : i32
      %convert_element_type3A_287 = arith.extui %lt3A_286 : i1 to i32
      %cond3A_288 = arith.constant 0 : i32
      %cond3A_289 = arith.cmpi ne, %convert_element_type3A_287, %cond3A_288 : i32
      scf.if %cond3A_289 {
        %add3A_446 = arith.constant 5 : i32
        %add3A_447 = arith.addi %add3A_277, %add3A_446 : i32
        %mul3A_448 = arith.constant 64 : i32
        %mul3A_449 = arith.muli %add3A_447, %mul3A_448 : i32
        %dma_start3A_450 = arith.constant 1 : i32
        %dma_start3A_451 = arith.constant 0 : i32
        %dma_start3A_452 = arith.constant 0 : i32
        %dma_start3A_453 = tpu.memref_slice %arg7[%dma_start3A_450, %dma_start3A_451, %dma_start3A_452] : memref<8x64x128xf32, #tpu.memory_space<vmem>> -> memref<1x64x128xf32, #tpu.memory_space<vmem>>
        %dma_start3A_454 = tpu.memref_squeeze %dma_start3A_453 : memref<1x64x128xf32, #tpu.memory_space<vmem>> -> memref<64x128xf32, #tpu.memory_space<vmem>>
        %dma_start3A_455 = tpu.memref_slice %arg5[%mul3A_449] : memref<25600xi32, #tpu.memory_space<vmem>> -> memref<64xi32, #tpu.memory_space<vmem>>
        %dma_start3A_456 = arith.constant 0 : i32
        %dma_start3A_457 = arith.constant 0 : i32
        %dma_start3A_458 = tpu.memref_slice %arg6[%dma_start3A_456, %dma_start3A_457] : memref<128x128xf32, #tpu.memory_space<vmem_shared>> -> memref<128x128xf32, #tpu.memory_space<vmem_shared>>
        tpu.enqueue_indirect_dma source(%dma_start3A_458 : memref<128x128xf32, #tpu.memory_space<vmem_shared>>) target(%dma_start3A_454 : memref<64x128xf32, #tpu.memory_space<vmem>>) offsets(%dma_start3A_455 : memref<64xi32, #tpu.memory_space<vmem>>) semaphore(%arg9 : memref<!tpu.dma_semaphore, #tpu.memory_space<semaphore_mem>>)
      } else {
      }
      %mul3A_290 = arith.constant 64 : i32
      %mul3A_291 = arith.muli %add3A_277, %mul3A_290 : i32
      %dma_wait3A_292 = arith.constant 4 : i32
      %dma_wait3A_293 = arith.constant 0 : i32
      %dma_wait3A_294 = arith.constant 0 : i32
      %dma_wait3A_295 = tpu.memref_slice %arg7[%dma_wait3A_292, %dma_wait3A_293, %dma_wait3A_294] : memref<8x64x128xf32, #tpu.memory_space<vmem>> -> memref<1x64x128xf32, #tpu.memory_space<vmem>>
      %dma_wait3A_296 = tpu.memref_squeeze %dma_wait3A_295 : memref<1x64x128xf32, #tpu.memory_space<vmem>> -> memref<64x128xf32, #tpu.memory_space<vmem>>
      %dma_wait3A_297 = tpu.memref_slice %arg5[%mul3A_291] : memref<25600xi32, #tpu.memory_space<vmem>> -> memref<64xi32, #tpu.memory_space<vmem>>
      %dma_wait3A_298 = arith.constant 0 : i32
      %dma_wait3A_299 = arith.constant 0 : i32
      %dma_wait3A_300 = tpu.memref_slice %arg6[%dma_wait3A_298, %dma_wait3A_299] : memref<128x128xf32, #tpu.memory_space<vmem_shared>> -> memref<128x128xf32, #tpu.memory_space<vmem_shared>>
      tpu.wait_indirect_dma semaphore(%arg12 : memref<!tpu.dma_semaphore, #tpu.memory_space<semaphore_mem>>) src(%dma_wait3A_300 : memref<128x128xf32, #tpu.memory_space<vmem_shared>>) dst(%dma_wait3A_296 : memref<64x128xf32, #tpu.memory_space<vmem>>)
      %mul3A_301 = arith.constant 64 : i32
      %mul3A_302 = arith.muli %add3A_277, %mul3A_301 : i32
      %add3A_303 = arith.addi %mul3A_2, %mul3A_302 : i32
      %dma_start3A_304 = arith.constant 4 : i32
      %dma_start3A_305 = arith.constant 0 : i32
      %dma_start3A_306 = arith.constant 0 : i32
      %dma_start3A_307 = tpu.memref_slice %arg7[%dma_start3A_304, %dma_start3A_305, %dma_start3A_306] : memref<8x64x128xf32, #tpu.memory_space<vmem>> -> memref<1x64x128xf32, #tpu.memory_space<vmem>>
      %dma_start3A_308 = tpu.memref_squeeze %dma_start3A_307 : memref<1x64x128xf32, #tpu.memory_space<vmem>> -> memref<64x128xf32, #tpu.memory_space<vmem>>
      %dma_start3A_309 = arith.constant 0 : i32
      %dma_start3A_310 = tpu.memref_slice %arg4[%add3A_303, %dma_start3A_309] : memref<819200x128xf32, #tpu.memory_space<hbm>> -> memref<64x128xf32, #tpu.memory_space<hbm>>
      %dma_start3A_311 = arith.constant 0 : i32
      %dma_start3A_312 = tpu.memref_slice %arg4[%add3A_303, %dma_start3A_311] : memref<819200x128xf32, #tpu.memory_space<hbm>> -> memref<64x128xf32, #tpu.memory_space<hbm>>
      %dma_start3A_313 = arith.constant 0 : i32
      %dma_start3A_314 = arith.constant 0 : i32
      %dma_start3A_315 = tpu.memref_slice %arg7[%dma_start3A_304, %dma_start3A_313, %dma_start3A_314] : memref<8x64x128xf32, #tpu.memory_space<vmem>> -> memref<1x64x128xf32, #tpu.memory_space<vmem>>
      %dma_start3A_316 = tpu.memref_squeeze %dma_start3A_315 : memref<1x64x128xf32, #tpu.memory_space<vmem>> -> memref<64x128xf32, #tpu.memory_space<vmem>>
      tpu.enqueue_dma source(%dma_start3A_316 : memref<64x128xf32, #tpu.memory_space<vmem>>) target(%dma_start3A_312 : memref<64x128xf32, #tpu.memory_space<hbm>>) target_semaphore(%arg20 : memref<!tpu.dma_semaphore, #tpu.memory_space<semaphore_mem>>)
      %mul3A_317 = arith.constant 8 : i32
      %mul3A_318 = arith.muli %scan3A_103, %mul3A_317 : i32
      %add3A_319 = arith.constant 5 : i32
      %add3A_320 = arith.addi %mul3A_318, %add3A_319 : i32
      %ge3A_321 = arith.constant 3 : i32
      %ge3A_322 = arith.cmpi sge, %add3A_320, %ge3A_321 : i32
      %convert_element_type3A_323 = arith.extui %ge3A_322 : i1 to i32
      %cond3A_324 = arith.constant 0 : i32
      %cond3A_325 = arith.cmpi ne, %convert_element_type3A_323, %cond3A_324 : i32
      scf.if %cond3A_325 {
        %sub3A = arith.constant 3 : i32
        %sub3A_446 = arith.subi %add3A_320, %sub3A : i32
        %mul3A_447 = arith.constant 64 : i32
        %mul3A_448 = arith.muli %sub3A_446, %mul3A_447 : i32
        %add3A_449 = arith.addi %mul3A_2, %mul3A_448 : i32
        %dma_wait3A_450 = arith.constant 2 : i32
        %dma_wait3A_451 = arith.constant 0 : i32
        %dma_wait3A_452 = arith.constant 0 : i32
        %dma_wait3A_453 = tpu.memref_slice %arg7[%dma_wait3A_450, %dma_wait3A_451, %dma_wait3A_452] : memref<8x64x128xf32, #tpu.memory_space<vmem>> -> memref<1x64x128xf32, #tpu.memory_space<vmem>>
        %dma_wait3A_454 = tpu.memref_squeeze %dma_wait3A_453 : memref<1x64x128xf32, #tpu.memory_space<vmem>> -> memref<64x128xf32, #tpu.memory_space<vmem>>
        %dma_wait3A_455 = arith.constant 0 : i32
        %dma_wait3A_456 = tpu.memref_slice %arg4[%add3A_449, %dma_wait3A_455] : memref<819200x128xf32, #tpu.memory_space<hbm>> -> memref<64x128xf32, #tpu.memory_space<hbm>>
        %dma_wait3A_457 = arith.constant 0 : i32
        %dma_wait3A_458 = tpu.memref_slice %arg4[%add3A_449, %dma_wait3A_457] : memref<819200x128xf32, #tpu.memory_space<hbm>> -> memref<64x128xf32, #tpu.memory_space<hbm>>
        %dma_wait3A_459 = arith.constant 0 : i32
        %dma_wait3A_460 = arith.constant 0 : i32
        %dma_wait3A_461 = tpu.memref_slice %arg7[%dma_wait3A_450, %dma_wait3A_459, %dma_wait3A_460] : memref<8x64x128xf32, #tpu.memory_space<vmem>> -> memref<1x64x128xf32, #tpu.memory_space<vmem>>
        %dma_wait3A_462 = tpu.memref_squeeze %dma_wait3A_461 : memref<1x64x128xf32, #tpu.memory_space<vmem>> -> memref<64x128xf32, #tpu.memory_space<vmem>>
        tpu.wait_dma2 semaphore(%arg18 : memref<!tpu.dma_semaphore, #tpu.memory_space<semaphore_mem>>) src(%dma_wait3A_462 : memref<64x128xf32, #tpu.memory_space<vmem>>) dst(%dma_wait3A_458 : memref<64x128xf32, #tpu.memory_space<hbm>>)
      } else {
      }
      %add3A_326 = arith.constant 5 : i32
      %add3A_327 = arith.addi %add3A_320, %add3A_326 : i32
      %lt3A_328 = arith.constant 400 : i32
      %lt3A_329 = arith.cmpi slt, %add3A_327, %lt3A_328 : i32
      %convert_element_type3A_330 = arith.extui %lt3A_329 : i1 to i32
      %cond3A_331 = arith.constant 0 : i32
      %cond3A_332 = arith.cmpi ne, %convert_element_type3A_330, %cond3A_331 : i32
      scf.if %cond3A_332 {
        %add3A_446 = arith.constant 5 : i32
        %add3A_447 = arith.addi %add3A_320, %add3A_446 : i32
        %mul3A_448 = arith.constant 64 : i32
        %mul3A_449 = arith.muli %add3A_447, %mul3A_448 : i32
        %dma_start3A_450 = arith.constant 2 : i32
        %dma_start3A_451 = arith.constant 0 : i32
        %dma_start3A_452 = arith.constant 0 : i32
        %dma_start3A_453 = tpu.memref_slice %arg7[%dma_start3A_450, %dma_start3A_451, %dma_start3A_452] : memref<8x64x128xf32, #tpu.memory_space<vmem>> -> memref<1x64x128xf32, #tpu.memory_space<vmem>>
        %dma_start3A_454 = tpu.memref_squeeze %dma_start3A_453 : memref<1x64x128xf32, #tpu.memory_space<vmem>> -> memref<64x128xf32, #tpu.memory_space<vmem>>
        %dma_start3A_455 = tpu.memref_slice %arg5[%mul3A_449] : memref<25600xi32, #tpu.memory_space<vmem>> -> memref<64xi32, #tpu.memory_space<vmem>>
        %dma_start3A_456 = arith.constant 0 : i32
        %dma_start3A_457 = arith.constant 0 : i32
        %dma_start3A_458 = tpu.memref_slice %arg6[%dma_start3A_456, %dma_start3A_457] : memref<128x128xf32, #tpu.memory_space<vmem_shared>> -> memref<128x128xf32, #tpu.memory_space<vmem_shared>>
        tpu.enqueue_indirect_dma source(%dma_start3A_458 : memref<128x128xf32, #tpu.memory_space<vmem_shared>>) target(%dma_start3A_454 : memref<64x128xf32, #tpu.memory_space<vmem>>) offsets(%dma_start3A_455 : memref<64xi32, #tpu.memory_space<vmem>>) semaphore(%arg10 : memref<!tpu.dma_semaphore, #tpu.memory_space<semaphore_mem>>)
      } else {
      }
      %mul3A_333 = arith.constant 64 : i32
      %mul3A_334 = arith.muli %add3A_320, %mul3A_333 : i32
      %dma_wait3A_335 = arith.constant 5 : i32
      %dma_wait3A_336 = arith.constant 0 : i32
      %dma_wait3A_337 = arith.constant 0 : i32
      %dma_wait3A_338 = tpu.memref_slice %arg7[%dma_wait3A_335, %dma_wait3A_336, %dma_wait3A_337] : memref<8x64x128xf32, #tpu.memory_space<vmem>> -> memref<1x64x128xf32, #tpu.memory_space<vmem>>
      %dma_wait3A_339 = tpu.memref_squeeze %dma_wait3A_338 : memref<1x64x128xf32, #tpu.memory_space<vmem>> -> memref<64x128xf32, #tpu.memory_space<vmem>>
      %dma_wait3A_340 = tpu.memref_slice %arg5[%mul3A_334] : memref<25600xi32, #tpu.memory_space<vmem>> -> memref<64xi32, #tpu.memory_space<vmem>>
      %dma_wait3A_341 = arith.constant 0 : i32
      %dma_wait3A_342 = arith.constant 0 : i32
      %dma_wait3A_343 = tpu.memref_slice %arg6[%dma_wait3A_341, %dma_wait3A_342] : memref<128x128xf32, #tpu.memory_space<vmem_shared>> -> memref<128x128xf32, #tpu.memory_space<vmem_shared>>
      tpu.wait_indirect_dma semaphore(%arg13 : memref<!tpu.dma_semaphore, #tpu.memory_space<semaphore_mem>>) src(%dma_wait3A_343 : memref<128x128xf32, #tpu.memory_space<vmem_shared>>) dst(%dma_wait3A_339 : memref<64x128xf32, #tpu.memory_space<vmem>>)
      %mul3A_344 = arith.constant 64 : i32
      %mul3A_345 = arith.muli %add3A_320, %mul3A_344 : i32
      %add3A_346 = arith.addi %mul3A_2, %mul3A_345 : i32
      %dma_start3A_347 = arith.constant 5 : i32
      %dma_start3A_348 = arith.constant 0 : i32
      %dma_start3A_349 = arith.constant 0 : i32
      %dma_start3A_350 = tpu.memref_slice %arg7[%dma_start3A_347, %dma_start3A_348, %dma_start3A_349] : memref<8x64x128xf32, #tpu.memory_space<vmem>> -> memref<1x64x128xf32, #tpu.memory_space<vmem>>
      %dma_start3A_351 = tpu.memref_squeeze %dma_start3A_350 : memref<1x64x128xf32, #tpu.memory_space<vmem>> -> memref<64x128xf32, #tpu.memory_space<vmem>>
      %dma_start3A_352 = arith.constant 0 : i32
      %dma_start3A_353 = tpu.memref_slice %arg4[%add3A_346, %dma_start3A_352] : memref<819200x128xf32, #tpu.memory_space<hbm>> -> memref<64x128xf32, #tpu.memory_space<hbm>>
      %dma_start3A_354 = arith.constant 0 : i32
      %dma_start3A_355 = tpu.memref_slice %arg4[%add3A_346, %dma_start3A_354] : memref<819200x128xf32, #tpu.memory_space<hbm>> -> memref<64x128xf32, #tpu.memory_space<hbm>>
      %dma_start3A_356 = arith.constant 0 : i32
      %dma_start3A_357 = arith.constant 0 : i32
      %dma_start3A_358 = tpu.memref_slice %arg7[%dma_start3A_347, %dma_start3A_356, %dma_start3A_357] : memref<8x64x128xf32, #tpu.memory_space<vmem>> -> memref<1x64x128xf32, #tpu.memory_space<vmem>>
      %dma_start3A_359 = tpu.memref_squeeze %dma_start3A_358 : memref<1x64x128xf32, #tpu.memory_space<vmem>> -> memref<64x128xf32, #tpu.memory_space<vmem>>
      tpu.enqueue_dma source(%dma_start3A_359 : memref<64x128xf32, #tpu.memory_space<vmem>>) target(%dma_start3A_355 : memref<64x128xf32, #tpu.memory_space<hbm>>) target_semaphore(%arg21 : memref<!tpu.dma_semaphore, #tpu.memory_space<semaphore_mem>>)
      %mul3A_360 = arith.constant 8 : i32
      %mul3A_361 = arith.muli %scan3A_103, %mul3A_360 : i32
      %add3A_362 = arith.constant 6 : i32
      %add3A_363 = arith.addi %mul3A_361, %add3A_362 : i32
      %ge3A_364 = arith.constant 3 : i32
      %ge3A_365 = arith.cmpi sge, %add3A_363, %ge3A_364 : i32
      %convert_element_type3A_366 = arith.extui %ge3A_365 : i1 to i32
      %cond3A_367 = arith.constant 0 : i32
      %cond3A_368 = arith.cmpi ne, %convert_element_type3A_366, %cond3A_367 : i32
      scf.if %cond3A_368 {
        %sub3A = arith.constant 3 : i32
        %sub3A_446 = arith.subi %add3A_363, %sub3A : i32
        %mul3A_447 = arith.constant 64 : i32
        %mul3A_448 = arith.muli %sub3A_446, %mul3A_447 : i32
        %add3A_449 = arith.addi %mul3A_2, %mul3A_448 : i32
        %dma_wait3A_450 = arith.constant 3 : i32
        %dma_wait3A_451 = arith.constant 0 : i32
        %dma_wait3A_452 = arith.constant 0 : i32
        %dma_wait3A_453 = tpu.memref_slice %arg7[%dma_wait3A_450, %dma_wait3A_451, %dma_wait3A_452] : memref<8x64x128xf32, #tpu.memory_space<vmem>> -> memref<1x64x128xf32, #tpu.memory_space<vmem>>
        %dma_wait3A_454 = tpu.memref_squeeze %dma_wait3A_453 : memref<1x64x128xf32, #tpu.memory_space<vmem>> -> memref<64x128xf32, #tpu.memory_space<vmem>>
        %dma_wait3A_455 = arith.constant 0 : i32
        %dma_wait3A_456 = tpu.memref_slice %arg4[%add3A_449, %dma_wait3A_455] : memref<819200x128xf32, #tpu.memory_space<hbm>> -> memref<64x128xf32, #tpu.memory_space<hbm>>
        %dma_wait3A_457 = arith.constant 0 : i32
        %dma_wait3A_458 = tpu.memref_slice %arg4[%add3A_449, %dma_wait3A_457] : memref<819200x128xf32, #tpu.memory_space<hbm>> -> memref<64x128xf32, #tpu.memory_space<hbm>>
        %dma_wait3A_459 = arith.constant 0 : i32
        %dma_wait3A_460 = arith.constant 0 : i32
        %dma_wait3A_461 = tpu.memref_slice %arg7[%dma_wait3A_450, %dma_wait3A_459, %dma_wait3A_460] : memref<8x64x128xf32, #tpu.memory_space<vmem>> -> memref<1x64x128xf32, #tpu.memory_space<vmem>>
        %dma_wait3A_462 = tpu.memref_squeeze %dma_wait3A_461 : memref<1x64x128xf32, #tpu.memory_space<vmem>> -> memref<64x128xf32, #tpu.memory_space<vmem>>
        tpu.wait_dma2 semaphore(%arg19 : memref<!tpu.dma_semaphore, #tpu.memory_space<semaphore_mem>>) src(%dma_wait3A_462 : memref<64x128xf32, #tpu.memory_space<vmem>>) dst(%dma_wait3A_458 : memref<64x128xf32, #tpu.memory_space<hbm>>)
      } else {
      }
      %add3A_369 = arith.constant 5 : i32
      %add3A_370 = arith.addi %add3A_363, %add3A_369 : i32
      %lt3A_371 = arith.constant 400 : i32
      %lt3A_372 = arith.cmpi slt, %add3A_370, %lt3A_371 : i32
      %convert_element_type3A_373 = arith.extui %lt3A_372 : i1 to i32
      %cond3A_374 = arith.constant 0 : i32
      %cond3A_375 = arith.cmpi ne, %convert_element_type3A_373, %cond3A_374 : i32
      scf.if %cond3A_375 {
        %add3A_446 = arith.constant 5 : i32
        %add3A_447 = arith.addi %add3A_363, %add3A_446 : i32
        %mul3A_448 = arith.constant 64 : i32
        %mul3A_449 = arith.muli %add3A_447, %mul3A_448 : i32
        %dma_start3A_450 = arith.constant 3 : i32
        %dma_start3A_451 = arith.constant 0 : i32
        %dma_start3A_452 = arith.constant 0 : i32
        %dma_start3A_453 = tpu.memref_slice %arg7[%dma_start3A_450, %dma_start3A_451, %dma_start3A_452] : memref<8x64x128xf32, #tpu.memory_space<vmem>> -> memref<1x64x128xf32, #tpu.memory_space<vmem>>
        %dma_start3A_454 = tpu.memref_squeeze %dma_start3A_453 : memref<1x64x128xf32, #tpu.memory_space<vmem>> -> memref<64x128xf32, #tpu.memory_space<vmem>>
        %dma_start3A_455 = tpu.memref_slice %arg5[%mul3A_449] : memref<25600xi32, #tpu.memory_space<vmem>> -> memref<64xi32, #tpu.memory_space<vmem>>
        %dma_start3A_456 = arith.constant 0 : i32
        %dma_start3A_457 = arith.constant 0 : i32
        %dma_start3A_458 = tpu.memref_slice %arg6[%dma_start3A_456, %dma_start3A_457] : memref<128x128xf32, #tpu.memory_space<vmem_shared>> -> memref<128x128xf32, #tpu.memory_space<vmem_shared>>
        tpu.enqueue_indirect_dma source(%dma_start3A_458 : memref<128x128xf32, #tpu.memory_space<vmem_shared>>) target(%dma_start3A_454 : memref<64x128xf32, #tpu.memory_space<vmem>>) offsets(%dma_start3A_455 : memref<64xi32, #tpu.memory_space<vmem>>) semaphore(%arg11 : memref<!tpu.dma_semaphore, #tpu.memory_space<semaphore_mem>>)
      } else {
      }
      %mul3A_376 = arith.constant 64 : i32
      %mul3A_377 = arith.muli %add3A_363, %mul3A_376 : i32
      %dma_wait3A_378 = arith.constant 6 : i32
      %dma_wait3A_379 = arith.constant 0 : i32
      %dma_wait3A_380 = arith.constant 0 : i32
      %dma_wait3A_381 = tpu.memref_slice %arg7[%dma_wait3A_378, %dma_wait3A_379, %dma_wait3A_380] : memref<8x64x128xf32, #tpu.memory_space<vmem>> -> memref<1x64x128xf32, #tpu.memory_space<vmem>>
      %dma_wait3A_382 = tpu.memref_squeeze %dma_wait3A_381 : memref<1x64x128xf32, #tpu.memory_space<vmem>> -> memref<64x128xf32, #tpu.memory_space<vmem>>
      %dma_wait3A_383 = tpu.memref_slice %arg5[%mul3A_377] : memref<25600xi32, #tpu.memory_space<vmem>> -> memref<64xi32, #tpu.memory_space<vmem>>
      %dma_wait3A_384 = arith.constant 0 : i32
      %dma_wait3A_385 = arith.constant 0 : i32
      %dma_wait3A_386 = tpu.memref_slice %arg6[%dma_wait3A_384, %dma_wait3A_385] : memref<128x128xf32, #tpu.memory_space<vmem_shared>> -> memref<128x128xf32, #tpu.memory_space<vmem_shared>>
      tpu.wait_indirect_dma semaphore(%arg14 : memref<!tpu.dma_semaphore, #tpu.memory_space<semaphore_mem>>) src(%dma_wait3A_386 : memref<128x128xf32, #tpu.memory_space<vmem_shared>>) dst(%dma_wait3A_382 : memref<64x128xf32, #tpu.memory_space<vmem>>)
      %mul3A_387 = arith.constant 64 : i32
      %mul3A_388 = arith.muli %add3A_363, %mul3A_387 : i32
      %add3A_389 = arith.addi %mul3A_2, %mul3A_388 : i32
      %dma_start3A_390 = arith.constant 6 : i32
      %dma_start3A_391 = arith.constant 0 : i32
      %dma_start3A_392 = arith.constant 0 : i32
      %dma_start3A_393 = tpu.memref_slice %arg7[%dma_start3A_390, %dma_start3A_391, %dma_start3A_392] : memref<8x64x128xf32, #tpu.memory_space<vmem>> -> memref<1x64x128xf32, #tpu.memory_space<vmem>>
      %dma_start3A_394 = tpu.memref_squeeze %dma_start3A_393 : memref<1x64x128xf32, #tpu.memory_space<vmem>> -> memref<64x128xf32, #tpu.memory_space<vmem>>
      %dma_start3A_395 = arith.constant 0 : i32
      %dma_start3A_396 = tpu.memref_slice %arg4[%add3A_389, %dma_start3A_395] : memref<819200x128xf32, #tpu.memory_space<hbm>> -> memref<64x128xf32, #tpu.memory_space<hbm>>
      %dma_start3A_397 = arith.constant 0 : i32
      %dma_start3A_398 = tpu.memref_slice %arg4[%add3A_389, %dma_start3A_397] : memref<819200x128xf32, #tpu.memory_space<hbm>> -> memref<64x128xf32, #tpu.memory_space<hbm>>
      %dma_start3A_399 = arith.constant 0 : i32
      %dma_start3A_400 = arith.constant 0 : i32
      %dma_start3A_401 = tpu.memref_slice %arg7[%dma_start3A_390, %dma_start3A_399, %dma_start3A_400] : memref<8x64x128xf32, #tpu.memory_space<vmem>> -> memref<1x64x128xf32, #tpu.memory_space<vmem>>
      %dma_start3A_402 = tpu.memref_squeeze %dma_start3A_401 : memref<1x64x128xf32, #tpu.memory_space<vmem>> -> memref<64x128xf32, #tpu.memory_space<vmem>>
      tpu.enqueue_dma source(%dma_start3A_402 : memref<64x128xf32, #tpu.memory_space<vmem>>) target(%dma_start3A_398 : memref<64x128xf32, #tpu.memory_space<hbm>>) target_semaphore(%arg22 : memref<!tpu.dma_semaphore, #tpu.memory_space<semaphore_mem>>)
      %mul3A_403 = arith.constant 8 : i32
      %mul3A_404 = arith.muli %scan3A_103, %mul3A_403 : i32
      %add3A_405 = arith.constant 7 : i32
      %add3A_406 = arith.addi %mul3A_404, %add3A_405 : i32
      %ge3A_407 = arith.constant 3 : i32
      %ge3A_408 = arith.cmpi sge, %add3A_406, %ge3A_407 : i32
      %convert_element_type3A_409 = arith.extui %ge3A_408 : i1 to i32
      %cond3A_410 = arith.constant 0 : i32
      %cond3A_411 = arith.cmpi ne, %convert_element_type3A_409, %cond3A_410 : i32
      scf.if %cond3A_411 {
        %sub3A = arith.constant 3 : i32
        %sub3A_446 = arith.subi %add3A_406, %sub3A : i32
        %mul3A_447 = arith.constant 64 : i32
        %mul3A_448 = arith.muli %sub3A_446, %mul3A_447 : i32
        %add3A_449 = arith.addi %mul3A_2, %mul3A_448 : i32
        %dma_wait3A_450 = arith.constant 4 : i32
        %dma_wait3A_451 = arith.constant 0 : i32
        %dma_wait3A_452 = arith.constant 0 : i32
        %dma_wait3A_453 = tpu.memref_slice %arg7[%dma_wait3A_450, %dma_wait3A_451, %dma_wait3A_452] : memref<8x64x128xf32, #tpu.memory_space<vmem>> -> memref<1x64x128xf32, #tpu.memory_space<vmem>>
        %dma_wait3A_454 = tpu.memref_squeeze %dma_wait3A_453 : memref<1x64x128xf32, #tpu.memory_space<vmem>> -> memref<64x128xf32, #tpu.memory_space<vmem>>
        %dma_wait3A_455 = arith.constant 0 : i32
        %dma_wait3A_456 = tpu.memref_slice %arg4[%add3A_449, %dma_wait3A_455] : memref<819200x128xf32, #tpu.memory_space<hbm>> -> memref<64x128xf32, #tpu.memory_space<hbm>>
        %dma_wait3A_457 = arith.constant 0 : i32
        %dma_wait3A_458 = tpu.memref_slice %arg4[%add3A_449, %dma_wait3A_457] : memref<819200x128xf32, #tpu.memory_space<hbm>> -> memref<64x128xf32, #tpu.memory_space<hbm>>
        %dma_wait3A_459 = arith.constant 0 : i32
        %dma_wait3A_460 = arith.constant 0 : i32
        %dma_wait3A_461 = tpu.memref_slice %arg7[%dma_wait3A_450, %dma_wait3A_459, %dma_wait3A_460] : memref<8x64x128xf32, #tpu.memory_space<vmem>> -> memref<1x64x128xf32, #tpu.memory_space<vmem>>
        %dma_wait3A_462 = tpu.memref_squeeze %dma_wait3A_461 : memref<1x64x128xf32, #tpu.memory_space<vmem>> -> memref<64x128xf32, #tpu.memory_space<vmem>>
        tpu.wait_dma2 semaphore(%arg20 : memref<!tpu.dma_semaphore, #tpu.memory_space<semaphore_mem>>) src(%dma_wait3A_462 : memref<64x128xf32, #tpu.memory_space<vmem>>) dst(%dma_wait3A_458 : memref<64x128xf32, #tpu.memory_space<hbm>>)
      } else {
      }
      %add3A_412 = arith.constant 5 : i32
      %add3A_413 = arith.addi %add3A_406, %add3A_412 : i32
      %lt3A_414 = arith.constant 400 : i32
      %lt3A_415 = arith.cmpi slt, %add3A_413, %lt3A_414 : i32
      %convert_element_type3A_416 = arith.extui %lt3A_415 : i1 to i32
      %cond3A_417 = arith.constant 0 : i32
      %cond3A_418 = arith.cmpi ne, %convert_element_type3A_416, %cond3A_417 : i32
      scf.if %cond3A_418 {
        %add3A_446 = arith.constant 5 : i32
        %add3A_447 = arith.addi %add3A_406, %add3A_446 : i32
        %mul3A_448 = arith.constant 64 : i32
        %mul3A_449 = arith.muli %add3A_447, %mul3A_448 : i32
        %dma_start3A_450 = arith.constant 4 : i32
        %dma_start3A_451 = arith.constant 0 : i32
        %dma_start3A_452 = arith.constant 0 : i32
        %dma_start3A_453 = tpu.memref_slice %arg7[%dma_start3A_450, %dma_start3A_451, %dma_start3A_452] : memref<8x64x128xf32, #tpu.memory_space<vmem>> -> memref<1x64x128xf32, #tpu.memory_space<vmem>>
        %dma_start3A_454 = tpu.memref_squeeze %dma_start3A_453 : memref<1x64x128xf32, #tpu.memory_space<vmem>> -> memref<64x128xf32, #tpu.memory_space<vmem>>
        %dma_start3A_455 = tpu.memref_slice %arg5[%mul3A_449] : memref<25600xi32, #tpu.memory_space<vmem>> -> memref<64xi32, #tpu.memory_space<vmem>>
        %dma_start3A_456 = arith.constant 0 : i32
        %dma_start3A_457 = arith.constant 0 : i32
        %dma_start3A_458 = tpu.memref_slice %arg6[%dma_start3A_456, %dma_start3A_457] : memref<128x128xf32, #tpu.memory_space<vmem_shared>> -> memref<128x128xf32, #tpu.memory_space<vmem_shared>>
        tpu.enqueue_indirect_dma source(%dma_start3A_458 : memref<128x128xf32, #tpu.memory_space<vmem_shared>>) target(%dma_start3A_454 : memref<64x128xf32, #tpu.memory_space<vmem>>) offsets(%dma_start3A_455 : memref<64xi32, #tpu.memory_space<vmem>>) semaphore(%arg12 : memref<!tpu.dma_semaphore, #tpu.memory_space<semaphore_mem>>)
      } else {
      }
      %mul3A_419 = arith.constant 64 : i32
      %mul3A_420 = arith.muli %add3A_406, %mul3A_419 : i32
      %dma_wait3A_421 = arith.constant 7 : i32
      %dma_wait3A_422 = arith.constant 0 : i32
      %dma_wait3A_423 = arith.constant 0 : i32
      %dma_wait3A_424 = tpu.memref_slice %arg7[%dma_wait3A_421, %dma_wait3A_422, %dma_wait3A_423] : memref<8x64x128xf32, #tpu.memory_space<vmem>> -> memref<1x64x128xf32, #tpu.memory_space<vmem>>
      %dma_wait3A_425 = tpu.memref_squeeze %dma_wait3A_424 : memref<1x64x128xf32, #tpu.memory_space<vmem>> -> memref<64x128xf32, #tpu.memory_space<vmem>>
      %dma_wait3A_426 = tpu.memref_slice %arg5[%mul3A_420] : memref<25600xi32, #tpu.memory_space<vmem>> -> memref<64xi32, #tpu.memory_space<vmem>>
      %dma_wait3A_427 = arith.constant 0 : i32
      %dma_wait3A_428 = arith.constant 0 : i32
      %dma_wait3A_429 = tpu.memref_slice %arg6[%dma_wait3A_427, %dma_wait3A_428] : memref<128x128xf32, #tpu.memory_space<vmem_shared>> -> memref<128x128xf32, #tpu.memory_space<vmem_shared>>
      tpu.wait_indirect_dma semaphore(%arg15 : memref<!tpu.dma_semaphore, #tpu.memory_space<semaphore_mem>>) src(%dma_wait3A_429 : memref<128x128xf32, #tpu.memory_space<vmem_shared>>) dst(%dma_wait3A_425 : memref<64x128xf32, #tpu.memory_space<vmem>>)
      %mul3A_430 = arith.constant 64 : i32
      %mul3A_431 = arith.muli %add3A_406, %mul3A_430 : i32
      %add3A_432 = arith.addi %mul3A_2, %mul3A_431 : i32
      %dma_start3A_433 = arith.constant 7 : i32
      %dma_start3A_434 = arith.constant 0 : i32
      %dma_start3A_435 = arith.constant 0 : i32
      %dma_start3A_436 = tpu.memref_slice %arg7[%dma_start3A_433, %dma_start3A_434, %dma_start3A_435] : memref<8x64x128xf32, #tpu.memory_space<vmem>> -> memref<1x64x128xf32, #tpu.memory_space<vmem>>
      %dma_start3A_437 = tpu.memref_squeeze %dma_start3A_436 : memref<1x64x128xf32, #tpu.memory_space<vmem>> -> memref<64x128xf32, #tpu.memory_space<vmem>>
      %dma_start3A_438 = arith.constant 0 : i32
      %dma_start3A_439 = tpu.memref_slice %arg4[%add3A_432, %dma_start3A_438] : memref<819200x128xf32, #tpu.memory_space<hbm>> -> memref<64x128xf32, #tpu.memory_space<hbm>>
      %dma_start3A_440 = arith.constant 0 : i32
      %dma_start3A_441 = tpu.memref_slice %arg4[%add3A_432, %dma_start3A_440] : memref<819200x128xf32, #tpu.memory_space<hbm>> -> memref<64x128xf32, #tpu.memory_space<hbm>>
      %dma_start3A_442 = arith.constant 0 : i32
      %dma_start3A_443 = arith.constant 0 : i32
      %dma_start3A_444 = tpu.memref_slice %arg7[%dma_start3A_433, %dma_start3A_442, %dma_start3A_443] : memref<8x64x128xf32, #tpu.memory_space<vmem>> -> memref<1x64x128xf32, #tpu.memory_space<vmem>>
      %dma_start3A_445 = tpu.memref_squeeze %dma_start3A_444 : memref<1x64x128xf32, #tpu.memory_space<vmem>> -> memref<64x128xf32, #tpu.memory_space<vmem>>
      tpu.enqueue_dma source(%dma_start3A_445 : memref<64x128xf32, #tpu.memory_space<vmem>>) target(%dma_start3A_441 : memref<64x128xf32, #tpu.memory_space<hbm>>) target_semaphore(%arg23 : memref<!tpu.dma_semaphore, #tpu.memory_space<semaphore_mem>>)
    }
    %scan3A_58 = arith.constant 50 : i32
    %add3A_59 = arith.constant 25408 : i32
    %add3A_60 = arith.addi %mul3A_2, %add3A_59 : i32
    %dma_wait3A = arith.constant 5 : i32
    %dma_wait3A_61 = arith.constant 0 : i32
    %dma_wait3A_62 = arith.constant 0 : i32
    %dma_wait3A_63 = tpu.memref_slice %arg7[%dma_wait3A, %dma_wait3A_61, %dma_wait3A_62] : memref<8x64x128xf32, #tpu.memory_space<vmem>> -> memref<1x64x128xf32, #tpu.memory_space<vmem>>
    %dma_wait3A_64 = tpu.memref_squeeze %dma_wait3A_63 : memref<1x64x128xf32, #tpu.memory_space<vmem>> -> memref<64x128xf32, #tpu.memory_space<vmem>>
    %dma_wait3A_65 = arith.constant 0 : i32
    %dma_wait3A_66 = tpu.memref_slice %arg4[%add3A_60, %dma_wait3A_65] : memref<819200x128xf32, #tpu.memory_space<hbm>> -> memref<64x128xf32, #tpu.memory_space<hbm>>
    %dma_wait3A_67 = arith.constant 0 : i32
    %dma_wait3A_68 = tpu.memref_slice %arg4[%add3A_60, %dma_wait3A_67] : memref<819200x128xf32, #tpu.memory_space<hbm>> -> memref<64x128xf32, #tpu.memory_space<hbm>>
    %dma_wait3A_69 = arith.constant 0 : i32
    %dma_wait3A_70 = arith.constant 0 : i32
    %dma_wait3A_71 = tpu.memref_slice %arg7[%dma_wait3A, %dma_wait3A_69, %dma_wait3A_70] : memref<8x64x128xf32, #tpu.memory_space<vmem>> -> memref<1x64x128xf32, #tpu.memory_space<vmem>>
    %dma_wait3A_72 = tpu.memref_squeeze %dma_wait3A_71 : memref<1x64x128xf32, #tpu.memory_space<vmem>> -> memref<64x128xf32, #tpu.memory_space<vmem>>
    tpu.wait_dma2 semaphore(%arg21 : memref<!tpu.dma_semaphore, #tpu.memory_space<semaphore_mem>>) src(%dma_wait3A_72 : memref<64x128xf32, #tpu.memory_space<vmem>>) dst(%dma_wait3A_68 : memref<64x128xf32, #tpu.memory_space<hbm>>)
    %add3A_73 = arith.constant 25472 : i32
    %add3A_74 = arith.addi %mul3A_2, %add3A_73 : i32
    %dma_wait3A_75 = arith.constant 6 : i32
    %dma_wait3A_76 = arith.constant 0 : i32
    %dma_wait3A_77 = arith.constant 0 : i32
    %dma_wait3A_78 = tpu.memref_slice %arg7[%dma_wait3A_75, %dma_wait3A_76, %dma_wait3A_77] : memref<8x64x128xf32, #tpu.memory_space<vmem>> -> memref<1x64x128xf32, #tpu.memory_space<vmem>>
    %dma_wait3A_79 = tpu.memref_squeeze %dma_wait3A_78 : memref<1x64x128xf32, #tpu.memory_space<vmem>> -> memref<64x128xf32, #tpu.memory_space<vmem>>
    %dma_wait3A_80 = arith.constant 0 : i32
    %dma_wait3A_81 = tpu.memref_slice %arg4[%add3A_74, %dma_wait3A_80] : memref<819200x128xf32, #tpu.memory_space<hbm>> -> memref<64x128xf32, #tpu.memory_space<hbm>>
    %dma_wait3A_82 = arith.constant 0 : i32
    %dma_wait3A_83 = tpu.memref_slice %arg4[%add3A_74, %dma_wait3A_82] : memref<819200x128xf32, #tpu.memory_space<hbm>> -> memref<64x128xf32, #tpu.memory_space<hbm>>
    %dma_wait3A_84 = arith.constant 0 : i32
    %dma_wait3A_85 = arith.constant 0 : i32
    %dma_wait3A_86 = tpu.memref_slice %arg7[%dma_wait3A_75, %dma_wait3A_84, %dma_wait3A_85] : memref<8x64x128xf32, #tpu.memory_space<vmem>> -> memref<1x64x128xf32, #tpu.memory_space<vmem>>
    %dma_wait3A_87 = tpu.memref_squeeze %dma_wait3A_86 : memref<1x64x128xf32, #tpu.memory_space<vmem>> -> memref<64x128xf32, #tpu.memory_space<vmem>>
    tpu.wait_dma2 semaphore(%arg22 : memref<!tpu.dma_semaphore, #tpu.memory_space<semaphore_mem>>) src(%dma_wait3A_87 : memref<64x128xf32, #tpu.memory_space<vmem>>) dst(%dma_wait3A_83 : memref<64x128xf32, #tpu.memory_space<hbm>>)
    %add3A_88 = arith.constant 25536 : i32
    %add3A_89 = arith.addi %mul3A_2, %add3A_88 : i32
    %dma_wait3A_90 = arith.constant 7 : i32
    %dma_wait3A_91 = arith.constant 0 : i32
    %dma_wait3A_92 = arith.constant 0 : i32
    %dma_wait3A_93 = tpu.memref_slice %arg7[%dma_wait3A_90, %dma_wait3A_91, %dma_wait3A_92] : memref<8x64x128xf32, #tpu.memory_space<vmem>> -> memref<1x64x128xf32, #tpu.memory_space<vmem>>
    %dma_wait3A_94 = tpu.memref_squeeze %dma_wait3A_93 : memref<1x64x128xf32, #tpu.memory_space<vmem>> -> memref<64x128xf32, #tpu.memory_space<vmem>>
    %dma_wait3A_95 = arith.constant 0 : i32
    %dma_wait3A_96 = tpu.memref_slice %arg4[%add3A_89, %dma_wait3A_95] : memref<819200x128xf32, #tpu.memory_space<hbm>> -> memref<64x128xf32, #tpu.memory_space<hbm>>
    %dma_wait3A_97 = arith.constant 0 : i32
    %dma_wait3A_98 = tpu.memref_slice %arg4[%add3A_89, %dma_wait3A_97] : memref<819200x128xf32, #tpu.memory_space<hbm>> -> memref<64x128xf32, #tpu.memory_space<hbm>>
    %dma_wait3A_99 = arith.constant 0 : i32
    %dma_wait3A_100 = arith.constant 0 : i32
    %dma_wait3A_101 = tpu.memref_slice %arg7[%dma_wait3A_90, %dma_wait3A_99, %dma_wait3A_100] : memref<8x64x128xf32, #tpu.memory_space<vmem>> -> memref<1x64x128xf32, #tpu.memory_space<vmem>>
    %dma_wait3A_102 = tpu.memref_squeeze %dma_wait3A_101 : memref<1x64x128xf32, #tpu.memory_space<vmem>> -> memref<64x128xf32, #tpu.memory_space<vmem>>
    tpu.wait_dma2 semaphore(%arg23 : memref<!tpu.dma_semaphore, #tpu.memory_space<semaphore_mem>>) src(%dma_wait3A_102 : memref<64x128xf32, #tpu.memory_space<vmem>>) dst(%dma_wait3A_98 : memref<64x128xf32, #tpu.memory_space<hbm>>)
    return
  }
}

</mosaic_0001>

<sc_bundles>
// kernel: kernel.3.cloned.1.call-start
scs
__scs_entry_jumppad:
0x0: {  	(pc) =	sbr.rel $0x88, $3  }
0x1: {  	(tag) =	ssettag $0x0;
	lr =	simm.s32 $0x1  }
0x2: {  	[smem:$0x3F9F] =	sst lr;
	_ =	strace $0xD0000000  }
0x3: {  	_ = 	snop  }
0x4: {  	_ = 	snop  }
0x5: {  	_ = 	snop  }
0x6: {  	_ = 	snop  }
0x7: {  	_ = 	snop  }
__scs_overlays_trampoline_lowered:
0x8: {  	[smem:$0x3FAE] =	sst s0  }
0x9: {  	[smem:$0x3FAF] =	sst s1  }
0xa: {  	[smem:$0x3FB0] =	sst s2  }
0xb: {  	[smem:$0x3FB1] =	sst s3  }
0xc: {  	[smem:$0x3FB2] =	sst s4  }
0xd: {  	[smem:$0x3FB3] =	sst s5  }
0xe: {  	[smem:$0x3FB4] =	sst s6  }
0xf: {  	[smem:$0x3FB5] =	sst s7  }
0x10: {  	[smem:$0x3FB6] =	sst s8  }
0x11: {  	[smem:$0x3FB7] =	sst s9;
	s0 =	simm.s32 @!p0 $0x0  }
0x12: {  	s1 =	sld [smem:$0x3F9D];
	s0 =	simm.s32 @p0 $0x1  }
0x13: {  	[smem:$0x3FB8] =	sst s0;
	s0 =	simm.s32 @!p1 $0x0  }
0x14: {  	s2 =	sld [smem:$0x3F9C];
	s0 =	simm.s32 @p1 $0x1  }
0x15: {  	[smem:$0x3FB9] =	sst s0;
	s0 =	simm.s32 @!p2 $0x0  }
0x16: {  	s3 =	sld [smem:$0x3FDB];
	s0 =	simm.s32 @p2 $0x1  }
0x17: {  	s4 =	simm.s32 $0x1BF5;
	[smem:$0x3FBB] =	sst s0  }
0x18: {  	s0 =	sld [smem:$0x3F9E];
	_ =	swait.ge [sflag:s4], $0x0  }
0x19: {  	s7 =	sld [smem:$0x3F9F]  }
0x1a: {  	s8 =	sadd.s32 $0xFFFFE003, lr  }
0x1b: {  	s9 =	sadd.s32 $0xFFFFFEF7, lr;
	s5 =	simm.s32 $0xFFFFFFFF;
	p2 =	slt.u32 s8, $0xFFFFF086  }
0x1c: {  	p1 =	slt.u32 s9, $0xF7A;
	s5 =	simm.s32 @!p2 $0x0  }
0x1d: {  	s5 =	simm.s32 @p1 $0x1;
	p0 =	seq.s32 s7, s2  }
0x1e: {  	s7 =	smul.u32 @!p0 $0xF7A, s2;
	p2 =	seq.s32 @!p0 s5, $0x0  }
0x1f: {  	s9 =	smul.u32 $0xF7A, s1;
	s8 =	simm.s32 @!p0 $0x1BF5;
	p2 =	por !p2, p0  }
0x20: {  	[sflag:s8] =	ssyncset.s32 @!p0 $0xFFFFF086;
	s6 =	sadd.s32 @!p0 s3, s7;
	s7 =	simm.s32 @!p0 $0x108  }
0x21: {  	s3 =	sadd.s32 s3, s9;
	s6 =	sadd.s32 @!p0 $0x88, s6;
	s7 =	simm.s32 @p2 $0x1082  }
0x22: {  	[simem:s7], [sflag:s8] =	dma.local @!p0 [hbm:s6], $0xF7A  }
0x23: {  	s9 =	sor.u32 $0xD0000000, s2;
	s6 =	simm.s32 $0x108;
	_ =	swait.ge @!p0 [sflag:s8], $0x0  }
0x24: {  	s3 =	sadd.s32 $0x88, s3;
	s6 =	simm.s32 @!p1 $0x1082;
	[sflag:s4] =	ssyncset.s32 $0xFFFFF086  }
0x25: {  	[simem:s6], [sflag:s4] =	dma.local [hbm:s3], $0xF7A  }
0x26: {  	[smem:$0x3F9F] =	sst s1;
	(tag) =	ssettag s2;
	_ =	strace s9  }
0x27: {  	s1 =	sld [smem:$0x3FAF]  }
0x28: {  	s2 =	sld [smem:$0x3FB0]  }
0x29: {  	s4 =	sld [smem:$0x3FB2]  }
0x2a: {  	p0 =	seq.s32 s5, $0x0;
	s5 =	sld [smem:$0x3FB3]  }
0x2b: {  	s6 =	sld [smem:$0x3FB4]  }
0x2c: {  	s7 =	sld [smem:$0x3FB5]  }
0x2d: {  	s3 =	simm.s32 $0x108;
	s8 =	sld [smem:$0x3FB6]  }
0x2e: {  	s3 =	simm.s32 @!p0 $0x1082;
	s9 =	sld [smem:$0x3FB7]  }
0x2f: {  	lr =	sadd.s32 s0, s3;
	s0 =	sld [smem:$0x3FAE]  }
0x30: {  	s3 =	sld [smem:$0x3FB1]  }
0x31: {  	[smem:$0x3FBA] =	sst s10  }
0x32: {  	s10 =	sld [smem:$0x3FB8];
	_ =	sdelay $0x3  }
0x33: {  	p0 =	seq.s32 s10, $0x1;
	s10 =	sld [smem:$0x3FBA];
	_ =	sdelay $0x3  }
0x34: {  	[smem:$0x3FBA] =	sst s10  }
0x35: {  	s10 =	sld [smem:$0x3FB9];
	_ =	sdelay $0x3  }
0x36: {  	p1 =	seq.s32 s10, $0x1;
	s10 =	sld [smem:$0x3FBA];
	_ =	sdelay $0x3  }
0x37: {  	[smem:$0x3FBA] =	sst s10  }
0x38: {  	s10 =	sld [smem:$0x3FBB]  }
0x39: {  	_ = 	snop;
	(pc) =	sbr.ind lr, $3  }
0x3a: {  	_ = 	snop  }
0x3b: {  	_ = 	snop  }
0x3c: {  	p2 =	seq.s32 s10, $0x1;
	s10 =	sld [smem:$0x3FBA]  }
0x3d: {  	_ =	shalt  }
0x3e: {  	_ =	shalt  }
0x3f: {  	_ =	shalt  }
0x40: {  	_ =	shalt  }
0x41: {  	_ =	shalt  }
0x42: {  	_ =	shalt  }
0x43: {  	_ =	shalt  }
0x44: {  	_ =	shalt  }
0x45: {  	_ =	shalt  }
0x46: {  	_ =	shalt  }
0x47: {  	_ =	shalt  }
0x48: {  	_ =	shalt  }
0x49: {  	_ =	shalt  }
0x4a: {  	_ =	shalt  }
0x4b: {  	_ =	shalt  }
0x4c: {  	_ =	shalt  }
0x4d: {  	_ =	shalt  }
0x4e: {  	_ =	shalt  }
0x4f: {  	_ =	shalt  }
0x50: {  	_ =	shalt  }
0x51: {  	_ =	shalt  }
0x52: {  	_ =	shalt  }
0x53: {  	_ =	shalt  }
0x54: {  	_ =	shalt  }
0x55: {  	_ =	shalt  }
0x56: {  	_ =	shalt  }
0x57: {  	_ =	shalt  }
0x58: {  	_ =	shalt  }
0x59: {  	_ =	shalt  }
0x5a: {  	_ =	shalt  }
0x5b: {  	_ =	shalt  }
0x5c: {  	_ =	shalt  }
0x5d: {  	_ =	shalt  }
0x5e: {  	_ =	shalt  }
0x5f: {  	_ =	shalt  }
0x60: {  	_ =	shalt  }
0x61: {  	_ =	shalt  }
0x62: {  	_ =	shalt  }
0x63: {  	_ =	shalt  }
0x64: {  	_ =	shalt  }
0x65: {  	_ =	shalt  }
0x66: {  	_ =	shalt  }
0x67: {  	_ =	shalt  }
0x68: {  	_ =	shalt  }
0x69: {  	_ =	shalt  }
0x6a: {  	_ =	shalt  }
0x6b: {  	_ =	shalt  }
0x6c: {  	_ =	shalt  }
0x6d: {  	_ =	shalt  }
0x6e: {  	_ =	shalt  }
0x6f: {  	_ =	shalt  }
0x70: {  	_ =	shalt  }
0x71: {  	_ =	shalt  }
0x72: {  	_ =	shalt  }
0x73: {  	_ =	shalt  }
0x74: {  	_ =	shalt  }
0x75: {  	_ =	shalt  }
0x76: {  	_ =	shalt  }
0x77: {  	_ =	shalt  }
0x78: {  	_ =	shalt  }
0x79: {  	_ =	shalt  }
0x7a: {  	_ =	shalt  }
0x7b: {  	_ =	shalt  }
0x7c: {  	_ =	shalt  }
0x7d: {  	_ =	shalt  }
0x7e: {  	_ =	shalt  }
0x7f: {  	_ =	shalt  }
0x80: {  	_ =	shalt  }
0x81: {  	_ =	shalt  }
0x82: {  	_ =	shalt  }
0x83: {  	_ =	shalt  }
0x84: {  	_ =	shalt  }
0x85: {  	_ =	shalt  }
0x86: {  	_ =	shalt  }
0x87: {  	_ =	shalt  }
.Lfunc_end0:
.L_simem_size_0:
called_computation_lowered:
.L_overlay_start_0:
0x88: {  	s2 =	sld [smem:$0x3FD9]  }
0x89: {  	s3 =	sld [smem:$0x3FFE];
	_ =	sdelay $0x1  }
0x8a: {  	s1 =	srdreg.scid  }
0x8b: {  	s0 =	sand.u32 $0x1, s1  }
0x8c: {  	s17 =	sshll.u32 s0, $0xA;
	s2 =	sadd.s32 s3, s2  }
0x8d: {  	s2 =	sadd.s32 s2, s17  }
0x8e: {  	[smem:$0x3FC6] =	sst s2  }
0x8f: {  	_ = 	snop  }
0x90: {  	s2 =	sld [smem:$0x3FC8]  }
0x91: {  	s18 =	sld [smem:$0x3FD0];
	(tm) =	ssettm $0x1  }
0x92: {  	s4 =	sld [smem:$0x3FFB];
	_ =	sdelay $0x3  }
0x93: {  	_ =	strace s4  }
0x94: {  	s4 =	sld [smem:$0x3FFC];
	_ =	sdelay $0x3  }
0x95: {  	_ =	strace s4  }
0x96: {  	s4 =	sld [smem:$0x3FFD];
	_ =	sdelay $0x3  }
0x97: {  	_ =	strace s4  }
0x98: {  	_ =	strace $0x8FFFFFFF  }
0x99: {  	s19 =	sld [smem:$0x3FDB];
	_ =	sdelay $0x1  }
0x9a: {  	s5 =	simm.s32 $_scs_section_size  }
0x9b: {  	s6 =	simm.s32 $_size__tile_overlayer_lowered;
	s7 =	simm.s32 $_tile_overlayer_lowered  }
0x9c: {  	s22 =	simm.s32 $0x1BFF;
	s21 =	sshll.u32 s7, $0x1;
	s4 =	sadd.s32 s5, s19  }
0x9d: {  	s8 =	simm.s32 $0x0;
	s20 =	sshll.u32 s6, $0x1;
	s6 =	sadd.s32 s21, s4  }
0x9e: {  	[timem:s8], [sflag:s22] =	dma.local [hbm:s6], s20  }
0x9f: {  	_ =	swait.ge [sflag:s22], s20  }
0xa0: {  	s5 =	ssub.s32 $0x0, s20;
	[sflag:s22] =	ssyncset.done $0x0  }
0xa1: {  	[sflag:s22] =	ssyncadd.s32 s5;
	_ =	sdelay $0x1  }
0xa2: {  	s23 =	simm.s32 $0x1B8B  }
0xa3: {  	_ =	swait.ge [sflag:s23], $0x1  }
0xa4: {  	[sflag:s23] =	ssyncset.done $0x0  }
0xa5: {  	s25 =	simm.s32 $0x1B8E;
	s24 =	sld [smem:$0x3FFE];
	[sflag:s23] =	ssyncadd.s32 $0xFFFFFFFF  }
0xa6: {  	s26 =	simm.s32 $execute0_lowered;
	[smem:$0x3FD2] =	sst s25  }
0xa7: {  	s6 =	sshll.u32 s26, $0x1;
	_ =	strace $0x80000046;
	[dreg:$0x1] =	wrdreg $0xFFFFFFFF  }
0xa8: {  	s28 =	simm.s32 $_size_execute0_lowered;
	s4 =	sadd.s32 s4, s6;
	[dreg:$0x0] =	wrdreg $0x0  }
0xa9: {  	s6 =	sshll.u32 s28, $0x1;
	[dreg:$0x2] =	wrdreg s4  }
0xaa: {  	[dreg:$0x3] =	wrdreg s6  }
0xab: {  	[dreg:$0x4] =	wrdreg $0xC0  }
0xac: {  	_ =	task [dreg:s8], $0x5FFFF  }
0xad: {  	[dreg:$0x1] =	wrdreg $0xFFFFFFFF  }
0xae: {  	[dreg:$0x0] =	wrdreg $0x60  }
0xaf: {  	[dreg:$0x2] =	wrdreg s24  }
0xb0: {  	[dreg:$0x3] =	wrdreg s2  }
0xb1: {  	[dreg:$0x4] =	wrdreg s18  }
0xb2: {  	[dreg:$0x5] =	wrdreg $0x64000  }
0xb3: {  	[dreg:$0x6] =	wrdreg $0x9  }
0xb4: {  	_ =	task.clear_ibuf [dreg:s8], $0x7FFFF;
	_ =	strace $0x90000046  }
0xb5: {  	s29 =	simm.s32 $0x9;
	_ =	strace $0x80000048  }
0xb6: {  	_ =	swait.ge [sflag:s29], $0x1  }
0xb7: {  	[sflag:s29] =	ssyncadd.s32 $0xFFFFFFFF  }
0xb8: {  	_ =	strace $0x90000048  }
0xb9: {  	_ =	sfence  }
0xba: {  	s30 =	sld [smem:$0x0];
	_ =	sdelay $0x2  }
0xbb: {  	s31 =	sshll.u32 s1, $0xD;
	s1 =	sshrl.u32 s1, $0x2  }
0xbc: {  	s3 =	sand.u32 $0x4000, s31;
	s1 =	sadd.s32 s1, s30  }
0xbd: {  	s0 =	sor.u32 s3, s0;
	s1 =	sshll.u32 s1, $0x11  }
0xbe: {  	s0 =	sor.u32 s1, s0  }
0xbf: {  	s0 =	sadd.s32 $0x8F2B, s0  }
0xc0: {  	[sflag:s0] =	ssyncadd.remote.s32 $0x1  }
0xc1: {  	_ =	sfence.sel $0xFFFF  }
0xc2: {  	[dreg:$0x0] =	wrdreg $0xFFFFFFFF;
	(pc) =	sbr.abs _section_cstart, $3  }
0xc3: {  	[dreg:$0x1] =	wrdreg $0xFFFFFFFF  }
0xc4: {  	_ =	task.clear_ibuf [dreg:s8], $0x2FFFF;
	_ =	strace $0x9FFFFFFF  }
0xc5: {  	(tm) =	ssettm $0x7FFFFFFF  }
tec
execute0_lowered:
.L_overlay_start_1:
0x0: {  	(tag) =	ssettag $0x1  }
0x1: {  	s0 =	rddreg [dreg:$0x0];
	s1 =	srdreg.scid  }
0x2: {  	s2 =	rddreg [dreg:$0x3];
	s3 =	stileid.u32  }
0x3: {  	s11 =	simm.s32 $0x40;
	s28 =	simm.s32 $0xA;
	s29 =	simm.s32 $0x5  }
0x4: {  	s30 =	simm.s32 $0xB;
	s31 =	simm.s32 $0x6;
	s15 =	simm.s32 $0x8  }
0x5: {  	s1 =	sand.u32 $0x1, s1;
	s4 =	sshrl.u32 s3, $0x2;
	s18 =	smul.u32 $0x640000, s3  }
0x6: {  	s5 =	sshll.u32 s3, $0x8;
	s8 =	smul.u32 $0xC8000, s3;
	p0 =	sne.s32 s3, $0x0  }
0x7: {  	s3 =	simm.s32 $0xC;
	s6 =	sshll.u32 s1, $0x7;
	s7 =	smul.u32 $0x32000, s4  }
0x8: {  	s4 =	simm.s32 $0x0;
	s19 =	smul.u32 $0x320000, s1;
	s9 =	ssub.s32 $0x2, s1  }
0x9: {  	s1 =	smul.u32 $0x64000, s1;
	s5 =	sor.u32 s6, s5;
	[smem:$0x7FF] =	sst s4  }
0xa: {  	s20 =	sshrl.u32 s9, $0x1;
	s5 =	sand.u32 $0x380, s5;
	_ =	strace $0x80000047  }
0xb: {  	s6 =	sadd.s32 s19, s18;
	s1 =	sadd.s32 s1, s8;
	s19 =	simm.s32 $0x10800  }
0xc: {  	s8 =	simm.s32 $0xD;
	s18 =	simm.s32 $0x6800;
	s5 =	sor.u32 s7, s5  }
0xd: {  	s7 =	sshrl.u32 s6, $0x3;
	s21 =	sor.u32 $0xE000, s6;
	[dreg:$0x6] =	wrdreg s1  }
0xe: {  	s23 =	sor.u32 $0xC000, s6;
	s6 =	sor.u32 $0xA000, s6;
	s5 =	sshrl.u32 s5, $0x3  }
0xf: {  	[dreg:$0x5] =	wrdreg s7;
	s22 =	sshrl.u32 s21, $0x3;
	s24 =	sshrl.u32 s23, $0x3  }
0x10: {  	s25 =	sshrl.u32 s6, $0x3;
	s21 =	simm.s32 $0x12800;
	[dreg:$0x7] =	wrdreg s22  }
0x11: {  	s23 =	simm.s32 $0x14800;
	s6 =	simm.s32 $0x0;
	[dreg:$0x8] =	wrdreg s24  }
0x12: {  	s0 =	sadd.s32 s5, s0;
	s5 =	ssub.s32 s9, s20;
	[dreg:$0x9] =	wrdreg s25  }
0x13: {  	s20 =	simm.s32 $0x1;
	s22 =	simm.s32 $0x2;
	s0 =	sadd.s32 $0x400, s0  }
0x14: {  	s24 =	simm.s32 $0x3;
	s26 =	smax.u32 s5, $0x1;
	[dreg:$0xa] =	wrdreg s0  }
0x15: {  	s25 =	simm.s32 $0x9;
	[dreg:$0xb] =	wrdreg s26;
	s0 =	sshrl.u32 @!p0 s2, $0x3  }
0x16: {  	s26 =	simm.s32 $0x4;
	[dreg:$0xc] =	wrdreg s0;
	s0 =	simm.s32 $0x7  }
.LBB2_1:
0x17: {  	[dreg:$0xd] =	wrdreg s6  }
0x18: {  	s1 =	rddreg [dreg:$0xa]  }
0x19: {  	s13 =	simm.s32 $0x80;
	s5 =	simm.s32 $0x400;
	s14 =	simm.s32 $0x11  }
0x1a: {  	[tilespmem:s4], [sflag:$0x11] =	stream.strided.gather [hbm4b:s1+s13], $0x6400, s5, s13, $0x38;
	[tilespmem:$0x16800] =	vst v63  }
0x1b: {  	_ =	swait.ge [sflag:s14], $0x6400  }
0x1c: {  	[sflag:s14] =	ssyncset.done $0x0  }
0x1d: {  	s7 =	rddreg [dreg:$0xc];
	[sflag:s14] =	ssyncadd.s32 $0xFFFF9C00  }
0x1e: {  	s1 =	simm.s32 @!p0 $0x1C11;
	s5 =	rddreg [dreg:$0x1]  }
0x1f: {  	[spmem:s7], [sflag:s1] =	dma.local @!p0 [hbm:s5], $0x800  }
0x20: {  	s1 =	simm.s32 @!p0 $0x11  }
0x21: {  	_ =	swait.ge @!p0 [sflag:s1], $0x800  }
0x22: {  	[sflag:s1] =	ssyncset.done @!p0 $0x0  }
0x23: {  	[sflag:s1] =	ssyncadd.s32 @!p0 $0xFFFFF800  }
0x24: {  	s7 =	simm.s32 $0x6800;
	[bflag:$0x0] =	sbarrier.arrive $0xFFFF  }
0x25: {  	[tilespmem:s7], [sflag:$0x1] =	stream.indirect.gather [spmem:s2], $0x80, s4, s11, $0xb8;
	[tilespmem:$0x16800] =	vst v63  }
0x26: {  	s9 =	simm.s32 $0x8800  }
0x27: {  	[tilespmem:s9], [sflag:$0x2] =	stream.indirect.gather [spmem:s2], $0x80, s11, s11, $0xb8;
	[tilespmem:$0x16800] =	vst v63  }
0x28: {  	s12 =	simm.s32 $0xA800;
	p1 =	por $0x1, $0x1  }
0x29: {  	[tilespmem:s12], [sflag:$0x3] =	stream.indirect.gather [spmem:s2], $0x80, s13, s11, $0xb8;
	[tilespmem:$0x16800] =	vst v63  }
0x2a: {  	s16 =	simm.s32 $0xC0;
	p1 =	por p1, p1;
	s13 =	simm.s32 $0xC800  }
0x2b: {  	[tilespmem:s13], [sflag:$0x4] =	stream.indirect.gather [spmem:s2], $0x80, s16, s11, $0xb8;
	[tilespmem:$0x16800] =	vst v63  }
0x2c: {  	s17 =	simm.s32 $0x100;
	s14 =	simm.s32 $0xE800;
	s1 =	simm.s32 @!p1 $0xE  }
0x2d: {  	[tilespmem:s14], [sflag:$0x5] =	stream.indirect.gather [spmem:s2], $0x80, s17, s11, $0xb8;
	[tilespmem:$0x16800] =	vst v63  }
0x2e: {  	_ =	swait.ge @!p1 [sflag:s1], $0x2000  }
0x2f: {  	[sflag:s1] =	ssyncset.done @!p1 $0x0  }
0x30: {  	s5 =	simm.s32 $0x140;
	[sflag:s1] =	ssyncadd.s32 @!p1 $0xFFFFE000  }
0x31: {  	[tilespmem:s19], [sflag:$0x6] =	stream.indirect.gather [spmem:s2], $0x80, s5, s11, $0xb8;
	[tilespmem:$0x16800] =	vst v63  }
0x32: {  	_ =	swait.ge [sflag:s20], $0x2000  }
0x33: {  	[sflag:s20] =	ssyncset.done $0x0  }
0x34: {  	s6 =	rddreg [dreg:$0x5];
	[sflag:s20] =	ssyncadd.s32 $0xFFFFE000  }
0x35: {  	s10 =	rddreg [dreg:$0x2]  }
0x36: {  	s5 =	simm.s32 @!p1 $0xF;
	s1 =	sadd.s32 s10, s6  }
0x37: {  	[hbm4b:s1+s4] =	stream.linear.scatter [tilespmem:s7], [sflag:$0x9], $0x2000, $0x38;
	[tilespmem:$0x16800] =	vst v63  }
0x38: {  	_ =	swait.ge @!p1 [sflag:s5], $0x2000  }
0x39: {  	[sflag:s5] =	ssyncset.done @!p1 $0x0  }
0x3a: {  	s7 =	simm.s32 $0x180;
	[sflag:s5] =	ssyncadd.s32 @!p1 $0xFFFFE000  }
0x3b: {  	[tilespmem:s21], [sflag:$0x7] =	stream.indirect.gather [spmem:s2], $0x80, s7, s11, $0xb8;
	[tilespmem:$0x16800] =	vst v63  }
0x3c: {  	_ =	swait.ge [sflag:s22], $0x2000  }
0x3d: {  	s16 =	rddreg [dreg:$0x6]  }
0x3e: {  	[sflag:s22] =	ssyncset.done $0x0;
	s1 =	sadd.s32 s10, s16  }
0x3f: {  	s6 =	simm.s32 @!p1 $0x10;
	[sflag:s22] =	ssyncadd.s32 $0xFFFFE000;
	s17 =	sadd.s32 $0x400, s1  }
0x40: {  	[hbm4b:s17+s4] =	stream.linear.scatter [tilespmem:s9], [sflag:$0xA], $0x2000, $0x38;
	[tilespmem:$0x16800] =	vst v63  }
0x41: {  	_ =	swait.ge @!p1 [sflag:s6], $0x2000  }
0x42: {  	[sflag:s6] =	ssyncset.done @!p1 $0x0  }
0x43: {  	s7 =	simm.s32 $0x1C0;
	[sflag:s6] =	ssyncadd.s32 @!p1 $0xFFFFE000  }
0x44: {  	[tilespmem:s23], [sflag:$0x8] =	stream.indirect.gather [spmem:s2], $0x80, s7, s11, $0xb8;
	[tilespmem:$0x16800] =	vst v63  }
0x45: {  	_ =	swait.ge [sflag:s24], $0x2000  }
0x46: {  	[sflag:s24] =	ssyncset.done $0x0  }
0x47: {  	s9 =	sadd.s32 $0x800, s1;
	[sflag:s24] =	ssyncadd.s32 $0xFFFFE000  }
0x48: {  	[hbm4b:s9+s4] =	stream.linear.scatter [tilespmem:s12], [sflag:$0xB], $0x2000, $0x38;
	[tilespmem:$0x16800] =	vst v63  }
0x49: {  	p1 =	por $0x0, $0x0;
	_ =	swait.ge [sflag:s25], $0x2000  }
0x4a: {  	s5 =	simm.s32 @!p1 $0x6800;
	[sflag:s25] =	ssyncset.done $0x0  }
0x4b: {  	s6 =	simm.s32 @!p1 $0x200;
	s7 =	simm.s32 @!p1 $0x40;
	[sflag:s25] =	ssyncadd.s32 $0xFFFFE000  }
0x4c: {  	[tilespmem:s5], [sflag:$0x1] =	stream.indirect.gather @!p1 [spmem:s2], $0x80, s6, s7, $0xb8;
	[tilespmem:$0x16800] =	vst v63  }
0x4d: {  	_ =	swait.ge [sflag:s26], $0x2000  }
0x4e: {  	[sflag:s26] =	ssyncset.done $0x0  }
0x4f: {  	s12 =	sadd.s32 $0xC00, s1;
	[sflag:s26] =	ssyncadd.s32 $0xFFFFE000  }
0x50: {  	[hbm4b:s12+s4] =	stream.linear.scatter [tilespmem:s13], [sflag:$0xC], $0x2000, $0x38;
	[tilespmem:$0x16800] =	vst v63  }
0x51: {  	_ =	swait.ge [sflag:s28], $0x2000  }
0x52: {  	[sflag:s28] =	ssyncset.done $0x0  }
0x53: {  	s5 =	simm.s32 @!p1 $0x240;
	s6 =	simm.s32 @!p1 $0x8800;
	[sflag:s28] =	ssyncadd.s32 $0xFFFFE000  }
0x54: {  	[tilespmem:s6], [sflag:$0x2] =	stream.indirect.gather @!p1 [spmem:s2], $0x80, s5, s7, $0xb8;
	[tilespmem:$0x16800] =	vst v63  }
0x55: {  	_ =	swait.ge [sflag:s29], $0x2000  }
0x56: {  	[sflag:s29] =	ssyncset.done $0x0  }
0x57: {  	s1 =	sadd.s32 $0x1000, s1;
	[sflag:s29] =	ssyncadd.s32 $0xFFFFE000  }
0x58: {  	[hbm4b:s1+s4] =	stream.linear.scatter [tilespmem:s14], [sflag:$0xD], $0x2000, $0x38;
	[tilespmem:$0x16800] =	vst v63  }
0x59: {  	_ =	swait.ge [sflag:s30], $0x2000  }
0x5a: {  	[sflag:s30] =	ssyncset.done $0x0  }
0x5b: {  	s5 =	simm.s32 @!p1 $0xA800;
	s1 =	simm.s32 @!p1 $0x280;
	[sflag:s30] =	ssyncadd.s32 $0xFFFFE000  }
0x5c: {  	[tilespmem:s5], [sflag:$0x3] =	stream.indirect.gather @!p1 [spmem:s2], $0x80, s1, s7, $0xb8;
	[tilespmem:$0x16800] =	vst v63  }
0x5d: {  	_ =	swait.ge [sflag:s31], $0x2000  }
0x5e: {  	s13 =	rddreg [dreg:$0x9];
	[sflag:s31] =	ssyncset.done $0x0  }
0x5f: {  	[sflag:s31] =	ssyncadd.s32 $0xFFFFE000;
	s1 =	sadd.s32 s10, s13  }
0x60: {  	[hbm4b:s1+s4] =	stream.linear.scatter [tilespmem:s19], [sflag:$0xE], $0x2000, $0x38;
	[tilespmem:$0x16800] =	vst v63  }
0x61: {  	_ =	swait.ge [sflag:s3], $0x2000  }
0x62: {  	[sflag:s3] =	ssyncset.done $0x0  }
0x63: {  	s5 =	simm.s32 @!p1 $0xC800;
	s1 =	simm.s32 @!p1 $0x2C0;
	[sflag:s3] =	ssyncadd.s32 $0xFFFFE000  }
0x64: {  	[tilespmem:s5], [sflag:$0x4] =	stream.indirect.gather @!p1 [spmem:s2], $0x80, s1, s7, $0xb8;
	[tilespmem:$0x16800] =	vst v63  }
0x65: {  	_ =	swait.ge [sflag:s0], $0x2000  }
0x66: {  	s14 =	rddreg [dreg:$0x8];
	[sflag:s0] =	ssyncset.done $0x0  }
0x67: {  	[sflag:s0] =	ssyncadd.s32 $0xFFFFE000;
	s1 =	sadd.s32 s10, s14  }
0x68: {  	[hbm4b:s1+s4] =	stream.linear.scatter [tilespmem:s21], [sflag:$0xF], $0x2000, $0x38;
	[tilespmem:$0x16800] =	vst v63  }
0x69: {  	_ =	swait.ge [sflag:s8], $0x2000  }
0x6a: {  	p6 =	por $0x0, $0x0;
	[sflag:s8] =	ssyncset.done $0x0  }
0x6b: {  	s5 =	simm.s32 @!p1 $0xE800;
	s1 =	simm.s32 @!p1 $0x300;
	[sflag:s8] =	ssyncadd.s32 $0xFFFFE000  }
0x6c: {  	[tilespmem:s5], [sflag:$0x5] =	stream.indirect.gather @!p1 [spmem:s2], $0x80, s1, s7, $0xb8;
	[tilespmem:$0x16800] =	vst v63  }
0x6d: {  	s17 =	simm.s32 $0x1000;
	s9 =	simm.s32 $0x800;
	_ =	swait.ge [sflag:s15], $0x2000  }
0x6e: {  	p1 =	por p6, p6;
	s16 =	rddreg [dreg:$0x7];
	[sflag:s15] =	ssyncset.done $0x0  }
0x6f: {  	[sflag:s15] =	ssyncadd.s32 $0xFFFFE000;
	s1 =	sadd.s32 s10, s16;
	s10 =	sadd.s32 $0x2000, s10  }
.LBB2_2:
0x70: {  	[hbm4b:s1+s4] =	stream.linear.scatter [tilespmem:s23], [sflag:$0x10], $0x2000, $0x38;
	[tilespmem:$0x16800] =	vst v63  }
0x71: {  	s1 =	simm.s32 @!p1 $0xE  }
0x72: {  	_ =	swait.ge @!p1 [sflag:s1], $0x2000  }
0x73: {  	s5 =	sshra.s32 s9, $0x2;
	[sflag:s1] =	ssyncset.done @!p1 $0x0  }
0x74: {  	s14 =	sadd.s32 $0x140, s5;
	[sflag:s1] =	ssyncadd.s32 @!p1 $0xFFFFE000  }
0x75: {  	[tilespmem:s19], [sflag:$0x6] =	stream.indirect.gather [spmem:s2], $0x80, s14, s11, $0xb8;
	[tilespmem:$0x16800] =	vst v63  }
0x76: {  	_ =	swait.ge [sflag:s20], $0x2000  }
0x77: {  	s16 =	rddreg [dreg:$0x5];
	[sflag:s20] =	ssyncset.done $0x0  }
0x78: {  	s6 =	simm.s32 @!p1 $0xF;
	[sflag:s20] =	ssyncadd.s32 $0xFFFFE000;
	s1 =	sadd.s32 s10, s16  }
0x79: {  	[hbm4b:s1+s4] =	stream.linear.scatter [tilespmem:s18], [sflag:$0x9], $0x2000, $0x38;
	[tilespmem:$0x16800] =	vst v63  }
0x7a: {  	_ =	swait.ge @!p1 [sflag:s6], $0x2000  }
0x7b: {  	[sflag:s6] =	ssyncset.done @!p1 $0x0  }
0x7c: {  	[sflag:s6] =	ssyncadd.s32 @!p1 $0xFFFFE000;
	s6 =	sadd.s32 $0x180, s5  }
0x7d: {  	[tilespmem:s21], [sflag:$0x7] =	stream.indirect.gather [spmem:s2], $0x80, s6, s11, $0xb8;
	[tilespmem:$0x16800] =	vst v63  }
0x7e: {  	_ =	swait.ge [sflag:s22], $0x2000  }
0x7f: {  	s12 =	rddreg [dreg:$0x6]  }
0x80: {  	s13 =	simm.s32 $0x8800;
	[sflag:s22] =	ssyncset.done $0x0;
	s6 =	sadd.s32 s10, s12  }
0x81: {  	[sflag:s22] =	ssyncadd.s32 $0xFFFFE000;
	s12 =	simm.s32 @!p1 $0x10;
	s1 =	sadd.s32 $0x400, s6  }
0x82: {  	[hbm4b:s1+s4] =	stream.linear.scatter [tilespmem:s13], [sflag:$0xA], $0x2000, $0x38;
	[tilespmem:$0x16800] =	vst v63  }
0x83: {  	_ =	swait.ge @!p1 [sflag:s12], $0x2000  }
0x84: {  	[sflag:s12] =	ssyncset.done @!p1 $0x0  }
0x85: {  	s13 =	sadd.s32 $0x1C0, s5;
	[sflag:s12] =	ssyncadd.s32 @!p1 $0xFFFFE000  }
0x86: {  	[tilespmem:s23], [sflag:$0x8] =	stream.indirect.gather [spmem:s2], $0x80, s13, s11, $0xb8;
	[tilespmem:$0x16800] =	vst v63  }
0x87: {  	s7 =	smov.u32 s17;
	_ =	swait.ge [sflag:s24], $0x2000  }
0x88: {  	p3 =	seq.s32 s7, $0x0;
	[sflag:s24] =	ssyncset.done $0x0  }
0x89: {  	s16 =	simm.s32 $0xA800;
	s14 =	sadd.s32 $0x800, s6;
	[sflag:s24] =	ssyncadd.s32 $0xFFFFE000  }
0x8a: {  	[hbm4b:s14+s4] =	stream.linear.scatter [tilespmem:s16], [sflag:$0xB], $0x2000, $0x38;
	[tilespmem:$0x16800] =	vst v63  }
0x8b: {  	p1 =	por p3, p3;
	p3 =	seq.s32 s9, $0x18800;
	_ =	swait.ge [sflag:s25], $0x2000  }
0x8c: {  	s1 =	sshra.s32 @!p3 s9, $0x2;
	s9 =	simm.s32 @!p3 $0x6800;
	[sflag:s25] =	ssyncset.done $0x0  }
0x8d: {  	s5 =	simm.s32 @!p3 $0x40;
	s12 =	sadd.s32 @!p3 $0x200, s1;
	[sflag:s25] =	ssyncadd.s32 $0xFFFFE000  }
0x8e: {  	[tilespmem:s9], [sflag:$0x1] =	stream.indirect.gather @!p3 [spmem:s2], $0x80, s12, s5, $0xb8;
	[tilespmem:$0x16800] =	vst v63  }
0x8f: {  	_ =	swait.ge [sflag:s26], $0x2000  }
0x90: {  	s16 =	sadd.s32 $0xC00, s6;
	[sflag:s26] =	ssyncset.done $0x0  }
0x91: {  	s9 =	smov.u32 s7;
	s7 =	simm.s32 $0xC800;
	[sflag:s26] =	ssyncadd.s32 $0xFFFFE000  }
0x92: {  	[hbm4b:s16+s4] =	stream.linear.scatter [tilespmem:s7], [sflag:$0xC], $0x2000, $0x38;
	[tilespmem:$0x16800] =	vst v63  }
0x93: {  	_ =	swait.ge [sflag:s28], $0x2000  }
0x94: {  	[sflag:s28] =	ssyncset.done $0x0  }
0x95: {  	s12 =	sadd.s32 @!p3 $0x240, s1;
	s7 =	simm.s32 @!p3 $0x8800;
	[sflag:s28] =	ssyncadd.s32 $0xFFFFE000  }
0x96: {  	[tilespmem:s7], [sflag:$0x2] =	stream.indirect.gather @!p3 [spmem:s2], $0x80, s12, s5, $0xb8;
	[tilespmem:$0x16800] =	vst v63  }
0x97: {  	_ =	swait.ge [sflag:s29], $0x2000  }
0x98: {  	[sflag:s29] =	ssyncset.done $0x0  }
0x99: {  	s6 =	sadd.s32 $0x1000, s6;
	s12 =	simm.s32 $0xE800;
	[sflag:s29] =	ssyncadd.s32 $0xFFFFE000  }
0x9a: {  	[hbm4b:s6+s4] =	stream.linear.scatter [tilespmem:s12], [sflag:$0xD], $0x2000, $0x38;
	[tilespmem:$0x16800] =	vst v63  }
0x9b: {  	_ =	swait.ge [sflag:s30], $0x2000  }
0x9c: {  	[sflag:s30] =	ssyncset.done $0x0  }
0x9d: {  	s13 =	sadd.s32 @!p3 $0x280, s1;
	s6 =	simm.s32 @!p3 $0xA800;
	[sflag:s30] =	ssyncadd.s32 $0xFFFFE000  }
0x9e: {  	[tilespmem:s6], [sflag:$0x3] =	stream.indirect.gather @!p3 [spmem:s2], $0x80, s13, s5, $0xb8;
	[tilespmem:$0x16800] =	vst v63  }
0x9f: {  	_ =	swait.ge [sflag:s31], $0x2000  }
0xa0: {  	s13 =	rddreg [dreg:$0x9];
	[sflag:s31] =	ssyncset.done $0x0  }
0xa1: {  	[sflag:s31] =	ssyncadd.s32 $0xFFFFE000;
	s6 =	sadd.s32 s10, s13  }
0xa2: {  	[hbm4b:s6+s4] =	stream.linear.scatter [tilespmem:s19], [sflag:$0xE], $0x2000, $0x38;
	[tilespmem:$0x16800] =	vst v63  }
0xa3: {  	_ =	swait.ge [sflag:s3], $0x2000  }
0xa4: {  	[sflag:s3] =	ssyncset.done $0x0  }
0xa5: {  	s14 =	sadd.s32 @!p3 $0x2C0, s1;
	s6 =	simm.s32 @!p3 $0xC800;
	[sflag:s3] =	ssyncadd.s32 $0xFFFFE000  }
0xa6: {  	[tilespmem:s6], [sflag:$0x4] =	stream.indirect.gather @!p3 [spmem:s2], $0x80, s14, s5, $0xb8;
	[tilespmem:$0x16800] =	vst v63  }
0xa7: {  	_ =	swait.ge [sflag:s0], $0x2000  }
0xa8: {  	s14 =	rddreg [dreg:$0x8];
	[sflag:s0] =	ssyncset.done $0x0  }
0xa9: {  	[sflag:s0] =	ssyncadd.s32 $0xFFFFE000;
	s6 =	sadd.s32 s10, s14  }
0xaa: {  	[hbm4b:s6+s4] =	stream.linear.scatter [tilespmem:s21], [sflag:$0xF], $0x2000, $0x38;
	[tilespmem:$0x16800] =	vst v63  }
0xab: {  	s17 =	sadd.s32 $0x800, s17;
	_ =	swait.ge [sflag:s8], $0x2000  }
0xac: {  	p2 =	sne.s32 s17, $0x19000;
	s1 =	sadd.s32 @!p3 $0x300, s1;
	[sflag:s8] =	ssyncset.done $0x0  }
.Ltmp0:
0xad: {  	s6 =	simm.s32 @!p3 $0xE800;
	[sflag:s8] =	ssyncadd.s32 $0xFFFFE000;
	(pc) =	sbr.rel @p2 .LBB2_2-.Ltmp0, $4  }
0xae: {  	[tilespmem:s6], [sflag:$0x5] =	stream.indirect.gather @!p3 [spmem:s2], $0x80, s1, s5, $0xb8;
	[tilespmem:$0x16800] =	vst v63  }
0xaf: {  	_ =	swait.ge [sflag:s15], $0x2000  }
0xb0: {  	[sflag:s15] =	ssyncset.done $0x0;
	s16 =	rddreg [dreg:$0x7]  }
0xb1: {  	[sflag:s15] =	ssyncadd.s32 $0xFFFFE000;
	s1 =	sadd.s32 s10, s16;
	s10 =	sadd.s32 $0x2000, s10  }
0xb2: {  	[hbm4b:s1+s4] =	stream.linear.scatter [tilespmem:s23], [sflag:$0x10], $0x2000, $0x38;
	[tilespmem:$0x16800] =	vst v63  }
0xb3: {  	s1 =	simm.s32 @!p1 $0xE  }
0xb4: {  	_ =	swait.ge @!p1 [sflag:s1], $0x2000  }
0xb5: {  	s5 =	sshra.s32 s9, $0x2;
	[sflag:s1] =	ssyncset.done @!p1 $0x0  }
0xb6: {  	s12 =	sadd.s32 $0x140, s5;
	[sflag:s1] =	ssyncadd.s32 @!p1 $0xFFFFE000  }
0xb7: {  	[tilespmem:s19], [sflag:$0x6] =	stream.indirect.gather [spmem:s2], $0x80, s12, s11, $0xb8;
	[tilespmem:$0x16800] =	vst v63  }
0xb8: {  	_ =	swait.ge [sflag:s20], $0x2000  }
0xb9: {  	s13 =	rddreg [dreg:$0x5];
	[sflag:s20] =	ssyncset.done $0x0  }
0xba: {  	s6 =	simm.s32 @!p1 $0xF;
	[sflag:s20] =	ssyncadd.s32 $0xFFFFE000;
	s1 =	sadd.s32 s10, s13  }
0xbb: {  	[hbm4b:s1+s4] =	stream.linear.scatter [tilespmem:s18], [sflag:$0x9], $0x2000, $0x38;
	[tilespmem:$0x16800] =	vst v63  }
0xbc: {  	_ =	swait.ge @!p1 [sflag:s6], $0x2000  }
0xbd: {  	[sflag:s6] =	ssyncset.done @!p1 $0x0  }
0xbe: {  	s14 =	sadd.s32 $0x180, s5;
	[sflag:s6] =	ssyncadd.s32 @!p1 $0xFFFFE000  }
0xbf: {  	[tilespmem:s21], [sflag:$0x7] =	stream.indirect.gather [spmem:s2], $0x80, s14, s11, $0xb8;
	[tilespmem:$0x16800] =	vst v63  }
0xc0: {  	_ =	swait.ge [sflag:s22], $0x2000  }
0xc1: {  	s16 =	rddreg [dreg:$0x6]  }
0xc2: {  	s7 =	simm.s32 @!p1 $0x10;
	[sflag:s22] =	ssyncset.done $0x0;
	s1 =	sadd.s32 s10, s16  }
0xc3: {  	s12 =	simm.s32 $0x8800;
	[sflag:s22] =	ssyncadd.s32 $0xFFFFE000;
	s17 =	sadd.s32 $0x400, s1  }
0xc4: {  	[hbm4b:s17+s4] =	stream.linear.scatter [tilespmem:s12], [sflag:$0xA], $0x2000, $0x38;
	[tilespmem:$0x16800] =	vst v63  }
0xc5: {  	_ =	swait.ge @!p1 [sflag:s7], $0x2000  }
0xc6: {  	[sflag:s7] =	ssyncset.done @!p1 $0x0  }
0xc7: {  	s5 =	sadd.s32 $0x1C0, s5;
	[sflag:s7] =	ssyncadd.s32 @!p1 $0xFFFFE000  }
0xc8: {  	[tilespmem:s23], [sflag:$0x8] =	stream.indirect.gather [spmem:s2], $0x80, s5, s11, $0xb8;
	[tilespmem:$0x16800] =	vst v63  }
0xc9: {  	_ =	swait.ge [sflag:s24], $0x2000  }
0xca: {  	[sflag:s24] =	ssyncset.done $0x0  }
0xcb: {  	s13 =	simm.s32 $0xA800;
	s12 =	sadd.s32 $0x800, s1;
	[sflag:s24] =	ssyncadd.s32 $0xFFFFE000  }
0xcc: {  	[hbm4b:s12+s4] =	stream.linear.scatter [tilespmem:s13], [sflag:$0xB], $0x2000, $0x38;
	[tilespmem:$0x16800] =	vst v63  }
0xcd: {  	p1 =	seq.s32 s9, $0x18800;
	_ =	swait.ge [sflag:s25], $0x2000  }
0xce: {  	s5 =	sshra.s32 @!p1 s9, $0x2;
	s6 =	simm.s32 @!p1 $0x6800;
	[sflag:s25] =	ssyncset.done $0x0  }
0xcf: {  	s9 =	simm.s32 @!p1 $0x40;
	s7 =	sadd.s32 @!p1 $0x200, s5;
	[sflag:s25] =	ssyncadd.s32 $0xFFFFE000  }
0xd0: {  	[tilespmem:s6], [sflag:$0x1] =	stream.indirect.gather @!p1 [spmem:s2], $0x80, s7, s9, $0xb8;
	[tilespmem:$0x16800] =	vst v63  }
0xd1: {  	_ =	swait.ge [sflag:s26], $0x2000  }
0xd2: {  	[sflag:s26] =	ssyncset.done $0x0  }
0xd3: {  	s16 =	simm.s32 $0xC800;
	s14 =	sadd.s32 $0xC00, s1;
	[sflag:s26] =	ssyncadd.s32 $0xFFFFE000  }
0xd4: {  	[hbm4b:s14+s4] =	stream.linear.scatter [tilespmem:s16], [sflag:$0xC], $0x2000, $0x38;
	[tilespmem:$0x16800] =	vst v63  }
0xd5: {  	_ =	swait.ge [sflag:s28], $0x2000  }
0xd6: {  	[sflag:s28] =	ssyncset.done $0x0  }
0xd7: {  	s6 =	sadd.s32 @!p1 $0x240, s5;
	s7 =	simm.s32 @!p1 $0x8800;
	[sflag:s28] =	ssyncadd.s32 $0xFFFFE000  }
0xd8: {  	[tilespmem:s7], [sflag:$0x2] =	stream.indirect.gather @!p1 [spmem:s2], $0x80, s6, s9, $0xb8;
	[tilespmem:$0x16800] =	vst v63  }
0xd9: {  	_ =	swait.ge [sflag:s29], $0x2000  }
0xda: {  	[sflag:s29] =	ssyncset.done $0x0  }
0xdb: {  	s1 =	sadd.s32 $0x1000, s1;
	s17 =	simm.s32 $0xE800;
	[sflag:s29] =	ssyncadd.s32 $0xFFFFE000  }
0xdc: {  	[hbm4b:s1+s4] =	stream.linear.scatter [tilespmem:s17], [sflag:$0xD], $0x2000, $0x38;
	[tilespmem:$0x16800] =	vst v63  }
0xdd: {  	_ =	swait.ge [sflag:s30], $0x2000  }
0xde: {  	[sflag:s30] =	ssyncset.done $0x0  }
0xdf: {  	s6 =	simm.s32 @!p1 $0xA800;
	s1 =	sadd.s32 @!p1 $0x280, s5;
	[sflag:s30] =	ssyncadd.s32 $0xFFFFE000  }
0xe0: {  	[tilespmem:s6], [sflag:$0x3] =	stream.indirect.gather @!p1 [spmem:s2], $0x80, s1, s9, $0xb8;
	[tilespmem:$0x16800] =	vst v63  }
0xe1: {  	_ =	swait.ge [sflag:s31], $0x2000  }
0xe2: {  	s6 =	rddreg [dreg:$0x9];
	[sflag:s31] =	ssyncset.done $0x0  }
0xe3: {  	[sflag:s31] =	ssyncadd.s32 $0xFFFFE000;
	s1 =	sadd.s32 s10, s6  }
0xe4: {  	[hbm4b:s1+s4] =	stream.linear.scatter [tilespmem:s19], [sflag:$0xE], $0x2000, $0x38;
	[tilespmem:$0x16800] =	vst v63  }
0xe5: {  	_ =	swait.ge [sflag:s3], $0x2000  }
0xe6: {  	[sflag:s3] =	ssyncset.done $0x0  }
0xe7: {  	s6 =	simm.s32 @!p1 $0xC800;
	s1 =	sadd.s32 @!p1 $0x2C0, s5;
	[sflag:s3] =	ssyncadd.s32 $0xFFFFE000  }
0xe8: {  	[tilespmem:s6], [sflag:$0x4] =	stream.indirect.gather @!p1 [spmem:s2], $0x80, s1, s9, $0xb8;
	[tilespmem:$0x16800] =	vst v63  }
0xe9: {  	_ =	swait.ge [sflag:s0], $0x2000  }
0xea: {  	s7 =	rddreg [dreg:$0x8];
	[sflag:s0] =	ssyncset.done $0x0  }
0xeb: {  	[sflag:s0] =	ssyncadd.s32 $0xFFFFE000;
	s1 =	sadd.s32 s10, s7  }
0xec: {  	[hbm4b:s1+s4] =	stream.linear.scatter [tilespmem:s21], [sflag:$0xF], $0x2000, $0x38;
	[tilespmem:$0x16800] =	vst v63  }
0xed: {  	_ =	swait.ge [sflag:s8], $0x2000  }
0xee: {  	[sflag:s8] =	ssyncset.done $0x0  }
0xef: {  	s1 =	sadd.s32 @!p1 $0x300, s5;
	s5 =	simm.s32 @!p1 $0xE800;
	[sflag:s8] =	ssyncadd.s32 $0xFFFFE000  }
0xf0: {  	[tilespmem:s5], [sflag:$0x5] =	stream.indirect.gather @!p1 [spmem:s2], $0x80, s1, s9, $0xb8;
	[tilespmem:$0x16800] =	vst v63  }
0xf1: {  	_ =	swait.ge [sflag:s15], $0x2000  }
0xf2: {  	s9 =	rddreg [dreg:$0x7];
	[sflag:s15] =	ssyncset.done $0x0  }
0xf3: {  	s12 =	simm.s32 $0xE;
	s1 =	sadd.s32 s10, s9;
	[sflag:s15] =	ssyncadd.s32 $0xFFFFE000  }
0xf4: {  	[hbm4b:s1+s4] =	stream.linear.scatter [tilespmem:s23], [sflag:$0x10], $0x2000, $0x38;
	[tilespmem:$0x16800] =	vst v63  }
0xf5: {  	_ =	swait.ge [sflag:s12], $0x2000  }
0xf6: {  	[sflag:s12] =	ssyncset.done $0x0  }
0xf7: {  	s13 =	simm.s32 $0xF;
	[sflag:s12] =	ssyncadd.s32 $0xFFFFE000  }
0xf8: {  	_ =	swait.ge [sflag:s13], $0x2000  }
0xf9: {  	[sflag:s13] =	ssyncset.done $0x0  }
0xfa: {  	s14 =	simm.s32 $0x10;
	[sflag:s13] =	ssyncadd.s32 $0xFFFFE000  }
0xfb: {  	_ =	swait.ge [sflag:s14], $0x2000  }
0xfc: {  	s16 =	rddreg [dreg:$0xd]  }
0xfd: {  	s17 =	rddreg [dreg:$0xb];
	s6 =	sadd.s32 $0x1, s16  }
0xfe: {  	p1 =	sne.s32 s6, s17  }
.Ltmp1:
0xff: {  	_ = 	snop;
	(pc) =	sbr.rel @p1 .LBB2_1-.Ltmp1, $3  }
0x100: {  	_ =	sdelay $0x1  }
0x101: {  	[sflag:s14] =	ssyncset.done $0x0  }
0x102: {  	[sflag:s14] =	ssyncadd.s32 $0xFFFFE000  }
0x103: {  	_ =	sfence.sel $0x180000  }
0x104: {  	[bflag:$0x0] =	sbarrier.arrive $0xFFFF  }
0x105: {  	_ =	strace $0x90000047  }
0x106: {  	[bflag:$0x2] =	sbarrier.arrive $0xFFFF  }
0x107: {  	s0 =	rddreg [dreg:$0x4]  }
0x108: {  	s0 =	sadd.s32 @!p0 $0x100000, s0  }
0x109: {  	[sflag:s0] =	ssyncadd.tile.s32 @!p0 $0x1;
	_ =	shalt  }
.Lfunc_end2:
_tile_overlayer_lowered:
.L_overlay_start_2:
0x10a: {  	(tag) =	ssettag $0x2  }
0x10b: {  	s0 =	rddreg [dreg:$0x0];
	s2 =	stileid.u32  }
0x10c: {  	s1 =	rddreg [dreg:$0x1];
	p0 =	sne.s32 s2, $0x0  }
0x10d: {  	s3 =	rddreg [dreg:$0x2];
	[bflag:$0x3] =	sbarrier.arrive $0xFFFF;
	s2 =	simm.s32 @!p0 $0x1C11  }
0x10e: {  	[timem:s3], [sflag:s2] =	dma.local @!p0 [hbm:s0], s1  }
0x10f: {  	s0 =	simm.s32 @!p0 $0x11  }
0x110: {  	_ =	swait.ge @!p0 [sflag:s0], s1  }
0x111: {  	s1 =	ssub.s32 @!p0 $0x0, s1;
	[sflag:s0] =	ssyncset.done @!p0 $0x0  }
0x112: {  	[sflag:s0] =	ssyncadd.s32 @!p0 s1  }
0x113: {  	[bflag:$0x3] =	sbarrier.arrive $0xFFFF  }
0x114: {  	_ =	shalt  }

</sc_bundles>
